<compile_context>
chip_gen: v7x
topology: tpu7x:2x2x1
jax: 0.10.2.dev20260603
libtpu: 0.0.44.dev20260713+nightly
codegen_flags: <defaults>
</compile_context>

<pallas_src>
import functools

import jax
import jax.numpy as jnp
from jax import lax
from jax.experimental import pallas as pl
from jax.experimental.pallas import tpu as pltpu
from jax.experimental.pallas import tpu_sc as plsc

D = 32
INPUT_DIM = 128
PACK_BLOCK = 16384


def _sc_gather(n_rows, chunk, n_tab):
    info = plsc.get_sparse_core_info()
    nc, ns = info.num_cores, info.num_subcores
    nw = nc * ns
    rows_per_w = n_rows // nw
    assert n_rows % nw == 0 and rows_per_w % (2 * chunk) == 0
    n_chunks = rows_per_w // chunk

    mesh = plsc.VectorSubcoreMesh(core_axis_name="c", subcore_axis_name="s")

    @functools.partial(
        pl.kernel,
        mesh=mesh,
        compiler_params=pltpu.CompilerParams(use_tc_tiling_on_sc=False),
        out_type=[jax.ShapeDtypeStruct((n_rows, D), jnp.float32)
                  for _ in range(n_tab)],
        scratch_types=(
            [pltpu.VMEM((rows_per_w,), jnp.int32) for _ in range(n_tab)]
            + [pltpu.VMEM((chunk, D), jnp.float32)
               for _ in range(2 * n_tab)]
            + [pltpu.SemaphoreType.DMA for _ in range(5)]
        ),
    )
    def k(*refs):
        wid = lax.axis_index("s") * nc + lax.axis_index("c")
        wbase = wid * rows_per_w
        tabs = refs[0:n_tab]
        idxs = refs[n_tab:2 * n_tab]
        outs = refs[2 * n_tab:3 * n_tab]
        idx_v = refs[3 * n_tab:4 * n_tab]
        rows_v = (refs[4 * n_tab:5 * n_tab], refs[5 * n_tab:6 * n_tab])
        sem_l, sem_g0, sem_g1, sem_w0, sem_w1 = refs[6 * n_tab:]
        sem_g = (sem_g0, sem_g1)
        sem_w = (sem_w0, sem_w1)

        for t in range(n_tab):
            pltpu.async_copy(idxs[t].at[pl.ds(wbase, rows_per_w)],
                             idx_v[t], sem_l)
        for t in range(n_tab):
            pltpu.make_async_copy(idxs[t].at[pl.ds(wbase, rows_per_w)],
                                  idx_v[t], sem_l).wait()

        def fire_gathers(c, p):
            off = c * chunk
            for t in range(n_tab):
                pltpu.async_copy(
                    tabs[t].at[idx_v[t].at[pl.ds(off, chunk)]],
                    rows_v[p][t], sem_g[p])

        def drain_gathers(p):
            for t in range(n_tab):
                pltpu.make_async_copy(
                    tabs[t].at[idx_v[t].at[pl.ds(0, chunk)]],
                    rows_v[p][t], sem_g[p]).wait()

        def fire_wb(c, p):
            off = wbase + c * chunk
            for t in range(n_tab):
                pltpu.async_copy(rows_v[p][t],
                                 outs[t].at[pl.ds(off, chunk)], sem_w[p])

        def drain_wb(p):
            for t in range(n_tab):
                pltpu.make_async_copy(
                    rows_v[p][t], outs[t].at[pl.ds(0, chunk)],
                    sem_w[p]).wait()

        def process(c, p, is_first_pair):
            if not is_first_pair:
                drain_wb(p)
            fire_gathers(c, p)
            if p == 1:
                drain_gathers(0)
                fire_wb(c - 1, 0)
            elif not is_first_pair:
                drain_gathers(1)
                fire_wb(c - 1, 1)

        process(0, 0, True)
        process(1, 1, True)

        def body(j, _):
            c = 2 * j
            process(c, 0, False)
            process(c + 1, 1, False)
            return ()

        lax.fori_loop(1, n_chunks // 2, body, ())

        drain_gathers(1)
        fire_wb(n_chunks - 1, 1)
        drain_wb(0)
        drain_wb(1)

    return k


def _tc_pint(emb_interaction, W):
    n_int = emb_interaction.shape[0]

    def body(e_ref, w_ref, o_ref):
        o_ref[...] = jnp.zeros_like(o_ref)
        o_ref[0:n_int, :] = jax.lax.dot_general(
            e_ref[...], w_ref[...], (((1,), (0,)), ((), ())),
            preferred_element_type=jnp.float32)

    return pl.pallas_call(
        body,
        out_shape=jax.ShapeDtypeStruct((8, INPUT_DIM), jnp.float32),
    )(emb_interaction, W[3 * D:4 * D, :])


def _tc_pack_table(tab_t):
    n_rows = tab_t.shape[1]
    block_v = PACK_BLOCK
    q = block_v // 4
    grid = (pl.cdiv(n_rows, block_v),)

    def body(t_ref, e_ref, o_ref):
        i = pl.program_id(0)
        cols = (jax.lax.broadcasted_iota(jnp.int32, (D, block_v), 1)
                + i * block_v)
        x = jnp.where(cols < n_rows, t_ref[...], 0.0)
        acc = jax.lax.dot_general(
            x[:, 0:q], e_ref[0:D, :], (((0,), (0,)), ((), ())),
            preferred_element_type=jnp.float32)
        for j in range(1, 4):
            acc += jax.lax.dot_general(
                x[:, q * j:q * (j + 1)], e_ref[D * j:D * (j + 1), :],
                (((0,), (0,)), ((), ())),
                preferred_element_type=jnp.float32)
        o_ref[...] = acc

    expander = jnp.eye(4 * D, dtype=jnp.float32)

    n_pad = grid[0] * block_v
    return pl.pallas_call(
        body,
        grid=grid,
        in_specs=[pl.BlockSpec((D, block_v), lambda i: (0, i)),
                  pl.BlockSpec((4 * D, 4 * D), lambda i: (0, 0))],
        out_specs=pl.BlockSpec((q, 4 * D), lambda i: (i, 0)),
        out_shape=jax.ShapeDtypeStruct((n_pad // 4, 4 * D), jnp.float32),
    )(tab_t, expander)


def _tc_project_packed(gi_p, gu_p, gt_p, inter3, wt, p_int, b, block_p):
    n_pack = gi_p.shape[0]
    grid = (n_pack // block_p,)
    block_n = 4 * block_p

    def body(gi_ref, gu_ref, gt_ref, int_ref, w1, w2, w3, p_ref, b_ref,
             o_ref):
        dn = (((1,), (0,)), ((), ()))
        acc = jax.lax.dot_general(
            gi_ref[...].astype(jnp.bfloat16), w1[...], dn,
            preferred_element_type=jnp.float32)
        acc += jax.lax.dot_general(
            gu_ref[...].astype(jnp.bfloat16), w2[...], dn,
            preferred_element_type=jnp.float32)
        acc += jax.lax.dot_general(
            gt_ref[...].astype(jnp.bfloat16), w3[...], dn,
            preferred_element_type=jnp.float32)
        ids = int_ref[0, 0, :]
        onehot = (ids[:, None]
                  == jax.lax.broadcasted_iota(jnp.int32, (block_n, 8), 1)
                  ).astype(jnp.float32)
        intc = jax.lax.dot_general(onehot, p_ref[...], dn,
                                   preferred_element_type=jnp.float32)
        o_ref[...] = acc.reshape(block_n, INPUT_DIM) + intc + b_ref[...]

    in_block = pl.BlockSpec((block_p, 4 * D), lambda i: (i, 0))
    return pl.pallas_call(
        body,
        grid=grid,
        in_specs=[in_block, in_block, in_block,
                  pl.BlockSpec((1, 1, block_n), lambda i: (i, 0, 0)),
                  pl.BlockSpec((4 * D, 4 * INPUT_DIM), lambda i: (0, 0)),
                  pl.BlockSpec((4 * D, 4 * INPUT_DIM), lambda i: (0, 0)),
                  pl.BlockSpec((4 * D, 4 * INPUT_DIM), lambda i: (0, 0)),
                  pl.BlockSpec((8, INPUT_DIM), lambda i: (0, 0)),
                  pl.BlockSpec((1, INPUT_DIM), lambda i: (0, 0))],
        out_specs=pl.BlockSpec((block_n, INPUT_DIM), lambda i: (i, 0)),
        out_shape=jax.ShapeDtypeStruct((4 * n_pack, INPUT_DIM), jnp.float32),
    )(gi_p, gu_p, gt_p, inter3, *wt, p_int, b.reshape(1, INPUT_DIM))


def kernel(item, user, tag, interaction, emb_item, emb_user, emb_tag,
           emb_interaction, W, b):
    B, L = item.shape
    n_rows = B * L
    n_pack = n_rows // 4
    block_p = 1024

    bv, qv = PACK_BLOCK, PACK_BLOCK // 4

    def perm(v):
        return (v // bv) * bv + 4 * (v % qv) + (v % bv) // qv

    idx_item = perm(item.T.reshape(-1).astype(jnp.int32))
    idx_user = perm(user.T.reshape(-1).astype(jnp.int32))
    idx_tag = tag.T.reshape(-1).astype(jnp.int32)
    inter3 = interaction.T.reshape(-1).astype(jnp.int32).reshape(
        n_pack // block_p, 1, 4 * block_p)

    item_pk = _tc_pack_table(emb_item.T)
    user_pk = _tc_pack_table(emb_user.T)
    item_rm = item_pk.reshape(item_pk.shape[0] * 4, D)
    user_rm = user_pk.reshape(user_pk.shape[0] * 4, D)

    gu, gt = _sc_gather(n_rows, 400, 2)(user_rm, emb_tag, idx_user, idx_tag)
    (gi,) = _sc_gather(n_rows, 400, 1)(item_rm, idx_item)
    gi_p = gi.reshape(n_pack, 4 * D)
    gu_p = gu.reshape(n_pack, 4 * D)
    gt_p = gt.reshape(n_pack, 4 * D)

    eye4 = jnp.eye(4, dtype=jnp.bfloat16)
    wt = [jnp.kron(eye4, W[t * D:(t + 1) * D, :].astype(jnp.bfloat16))
          for t in range(3)]
    p_int = _tc_pint(emb_interaction, W)

    out = _tc_project_packed(gi_p, gu_p, gt_p, inter3, wt, p_int, b,
                             block_p)
    return out.reshape(L, B, INPUT_DIM).transpose(1, 0, 2)

# --- scband reference (transcript-rebuilt; emitter-appended) ---
"""Pipeline reference for scband-embed-base-77412490543231 (READ-ONLY COPY).

The authoritative reference and input builder live on the scoring server;
editing this copy changes nothing except your own understanding.
"""

import jax, jax.numpy as jnp
import numpy as np

D = 32
INPUT_DIM = 128
B, L = 4096, 50
V_ITEM, V_USER, V_TAG = 1000000, 100000, 1000


def setup_inputs(seed: int = 0) -> dict:
    key = jax.random.key(seed)
    ks = jax.random.split(key, 10)
    item = jax.random.randint(ks[0], (B, L), 0, V_ITEM, dtype=jnp.int64 if jax.config.jax_enable_x64 else jnp.int32)
    user = jax.random.randint(ks[1], (B, L), 0, V_USER)
    tag = jax.random.randint(ks[2], (B, L), 0, V_TAG)
    interaction = jax.random.randint(ks[3], (B, L), 0, 3)
    # Learned parameters (per nn.Embedding(v + 1, D) and nn.Linear(4*D, INPUT_DIM))
    emb_item = jax.random.normal(ks[4], (V_ITEM + 1, D), dtype=jnp.float32)
    emb_user = jax.random.normal(ks[5], (V_USER + 1, D), dtype=jnp.float32)
    emb_tag = jax.random.normal(ks[6], (V_TAG + 1, D), dtype=jnp.float32)
    emb_interaction = jax.random.normal(ks[7], (3, D), dtype=jnp.float32)
    W = jax.random.normal(ks[8], (4 * D, INPUT_DIM), dtype=jnp.float32) * 0.05
    b = jnp.zeros((INPUT_DIM,), dtype=jnp.float32)
    return {
        "item": item,
        "user": user,
        "tag": tag,
        "interaction": interaction,
        "emb_item": emb_item,
        "emb_user": emb_user,
        "emb_tag": emb_tag,
        "emb_interaction": emb_interaction,
        "W": W,
        "b": b,
    }


def reference(item, user, tag, interaction, emb_item, emb_user, emb_tag, emb_interaction, W, b):
    # embedded_x = cat([embedding[i](x[i]) for i in max_label_dict], dim=2)
    # iteration order of max_label_dict after __init__: item, user, tag, interaction
    embedded_x = jnp.concatenate(
        [
            jnp.take(emb_item, item, axis=0),
            jnp.take(emb_user, user, axis=0),
            jnp.take(emb_tag, tag, axis=0),
            jnp.take(emb_interaction, interaction, axis=0),
        ],
        axis=2,
    )
    # input_x = input_lin(embedded_x)
    input_x = embedded_x @ W + b
    return input_x

if __name__ == "__main__":
    import jax
    _d = setup_inputs()
    print(jax.jit(kernel)(*tuple(_d.values())))

</pallas_src>

<mosaic_0001>
#map = affine_map<(d0, d1) -> (0, 0)>
#map1 = affine_map<(d0, d1) -> (0)>
module attributes {stable_mosaic.version = 14 : i64} {
  func.func @k(%arg0: i32, %arg1: i32, %arg2: memref<114688x32xf32, #tpu.memory_space<hbm>>, %arg3: memref<1001x32xf32, #tpu.memory_space<hbm>>, %arg4: memref<204800xi32, #tpu.memory_space<hbm>>, %arg5: memref<204800xi32, #tpu.memory_space<hbm>>, %arg6: memref<204800x32xf32, #tpu.memory_space<hbm>>, %arg7: memref<204800x32xf32, #tpu.memory_space<hbm>>, %arg8: memref<6400xi32, #tpu.memory_space<vmem>>, %arg9: memref<6400xi32, #tpu.memory_space<vmem>>, %arg10: memref<400x32xf32, #tpu.memory_space<vmem>>, %arg11: memref<400x32xf32, #tpu.memory_space<vmem>>, %arg12: memref<400x32xf32, #tpu.memory_space<vmem>>, %arg13: memref<400x32xf32, #tpu.memory_space<vmem>>, %arg14: memref<!tpu.dma_semaphore, #tpu.memory_space<semaphore_mem>>, %arg15: memref<!tpu.dma_semaphore, #tpu.memory_space<semaphore_mem>>, %arg16: memref<!tpu.dma_semaphore, #tpu.memory_space<semaphore_mem>>, %arg17: memref<!tpu.dma_semaphore, #tpu.memory_space<semaphore_mem>>, %arg18: memref<!tpu.dma_semaphore, #tpu.memory_space<semaphore_mem>>) attributes {dimension_semantics = [#tpu.dimension_semantics<core_parallel>, #tpu.dimension_semantics<subcore_parallel>], iteration_bounds = array<i64: 2, 16>, scalar_prefetch = 0 : i64, scratch_operands = 11 : i64, tpu.core_type = #tpu.core_type<sc_vector_subcore>, window_params = [{transform_indices = #map}, {transform_indices = #map}, {transform_indices = #map1}, {transform_indices = #map1}, {transform_indices = #map}, {transform_indices = #map}]} {
    %mul3A = arith.constant 2 : i32
    %mul3A_0 = arith.muli %arg1, %mul3A : i32
    %add3A = arith.addi %mul3A_0, %arg0 : i32
    %mul3A_1 = arith.constant 6400 : i32
    %mul3A_2 = arith.muli %add3A, %mul3A_1 : i32
    %dma_start3A = tpu.memref_slice %arg4[%mul3A_2] : memref<204800xi32, #tpu.memory_space<hbm>> -> memref<6400xi32, #tpu.memory_space<hbm>>
    %dma_start3A_3 = tpu.memref_slice %arg4[%mul3A_2] : memref<204800xi32, #tpu.memory_space<hbm>> -> memref<6400xi32, #tpu.memory_space<hbm>>
    tpu.enqueue_dma source(%dma_start3A_3 : memref<6400xi32, #tpu.memory_space<hbm>>) target(%arg8 : memref<6400xi32, #tpu.memory_space<vmem>>) target_semaphore(%arg14 : memref<!tpu.dma_semaphore, #tpu.memory_space<semaphore_mem>>)
    %dma_start3A_4 = tpu.memref_slice %arg5[%mul3A_2] : memref<204800xi32, #tpu.memory_space<hbm>> -> memref<6400xi32, #tpu.memory_space<hbm>>
    %dma_start3A_5 = tpu.memref_slice %arg5[%mul3A_2] : memref<204800xi32, #tpu.memory_space<hbm>> -> memref<6400xi32, #tpu.memory_space<hbm>>
    tpu.enqueue_dma source(%dma_start3A_5 : memref<6400xi32, #tpu.memory_space<hbm>>) target(%arg9 : memref<6400xi32, #tpu.memory_space<vmem>>) target_semaphore(%arg14 : memref<!tpu.dma_semaphore, #tpu.memory_space<semaphore_mem>>)
    %dma_wait3A = tpu.memref_slice %arg4[%mul3A_2] : memref<204800xi32, #tpu.memory_space<hbm>> -> memref<6400xi32, #tpu.memory_space<hbm>>
    %dma_wait3A_6 = tpu.memref_slice %arg4[%mul3A_2] : memref<204800xi32, #tpu.memory_space<hbm>> -> memref<6400xi32, #tpu.memory_space<hbm>>
    tpu.wait_dma2 semaphore(%arg14 : memref<!tpu.dma_semaphore, #tpu.memory_space<semaphore_mem>>) src(%dma_wait3A_6 : memref<6400xi32, #tpu.memory_space<hbm>>) dst(%arg8 : memref<6400xi32, #tpu.memory_space<vmem>>)
    %dma_wait3A_7 = tpu.memref_slice %arg5[%mul3A_2] : memref<204800xi32, #tpu.memory_space<hbm>> -> memref<6400xi32, #tpu.memory_space<hbm>>
    %dma_wait3A_8 = tpu.memref_slice %arg5[%mul3A_2] : memref<204800xi32, #tpu.memory_space<hbm>> -> memref<6400xi32, #tpu.memory_space<hbm>>
    tpu.wait_dma2 semaphore(%arg14 : memref<!tpu.dma_semaphore, #tpu.memory_space<semaphore_mem>>) src(%dma_wait3A_8 : memref<6400xi32, #tpu.memory_space<hbm>>) dst(%arg9 : memref<6400xi32, #tpu.memory_space<vmem>>)
    %dma_start3A_9 = arith.constant 0 : i32
    %dma_start3A_10 = tpu.memref_slice %arg8[%dma_start3A_9] : memref<6400xi32, #tpu.memory_space<vmem>> -> memref<400xi32, #tpu.memory_space<vmem>>
    %dma_start3A_11 = arith.constant 0 : i32
    %dma_start3A_12 = arith.constant 0 : i32
    %dma_start3A_13 = tpu.memref_slice %arg2[%dma_start3A_11, %dma_start3A_12] : memref<114688x32xf32, #tpu.memory_space<hbm>> -> memref<114688x32xf32, #tpu.memory_space<hbm>>
    tpu.enqueue_indirect_dma source(%dma_start3A_13 : memref<114688x32xf32, #tpu.memory_space<hbm>>) target(%arg10 : memref<400x32xf32, #tpu.memory_space<vmem>>) offsets(%dma_start3A_10 : memref<400xi32, #tpu.memory_space<vmem>>) semaphore(%arg15 : memref<!tpu.dma_semaphore, #tpu.memory_space<semaphore_mem>>)
    %dma_start3A_14 = arith.constant 0 : i32
    %dma_start3A_15 = tpu.memref_slice %arg9[%dma_start3A_14] : memref<6400xi32, #tpu.memory_space<vmem>> -> memref<400xi32, #tpu.memory_space<vmem>>
    %dma_start3A_16 = arith.constant 0 : i32
    %dma_start3A_17 = arith.constant 0 : i32
    %dma_start3A_18 = tpu.memref_slice %arg3[%dma_start3A_16, %dma_start3A_17] : memref<1001x32xf32, #tpu.memory_space<hbm>> -> memref<1001x32xf32, #tpu.memory_space<hbm>>
    tpu.enqueue_indirect_dma source(%dma_start3A_18 : memref<1001x32xf32, #tpu.memory_space<hbm>>) target(%arg11 : memref<400x32xf32, #tpu.memory_space<vmem>>) offsets(%dma_start3A_15 : memref<400xi32, #tpu.memory_space<vmem>>) semaphore(%arg15 : memref<!tpu.dma_semaphore, #tpu.memory_space<semaphore_mem>>)
    %dma_start3A_19 = arith.constant 400 : i32
    %dma_start3A_20 = tpu.memref_slice %arg8[%dma_start3A_19] : memref<6400xi32, #tpu.memory_space<vmem>> -> memref<400xi32, #tpu.memory_space<vmem>>
    %dma_start3A_21 = arith.constant 0 : i32
    %dma_start3A_22 = arith.constant 0 : i32
    %dma_start3A_23 = tpu.memref_slice %arg2[%dma_start3A_21, %dma_start3A_22] : memref<114688x32xf32, #tpu.memory_space<hbm>> -> memref<114688x32xf32, #tpu.memory_space<hbm>>
    tpu.enqueue_indirect_dma source(%dma_start3A_23 : memref<114688x32xf32, #tpu.memory_space<hbm>>) target(%arg12 : memref<400x32xf32, #tpu.memory_space<vmem>>) offsets(%dma_start3A_20 : memref<400xi32, #tpu.memory_space<vmem>>) semaphore(%arg16 : memref<!tpu.dma_semaphore, #tpu.memory_space<semaphore_mem>>)
    %dma_start3A_24 = arith.constant 400 : i32
    %dma_start3A_25 = tpu.memref_slice %arg9[%dma_start3A_24] : memref<6400xi32, #tpu.memory_space<vmem>> -> memref<400xi32, #tpu.memory_space<vmem>>
    %dma_start3A_26 = arith.constant 0 : i32
    %dma_start3A_27 = arith.constant 0 : i32
    %dma_start3A_28 = tpu.memref_slice %arg3[%dma_start3A_26, %dma_start3A_27] : memref<1001x32xf32, #tpu.memory_space<hbm>> -> memref<1001x32xf32, #tpu.memory_space<hbm>>
    tpu.enqueue_indirect_dma source(%dma_start3A_28 : memref<1001x32xf32, #tpu.memory_space<hbm>>) target(%arg13 : memref<400x32xf32, #tpu.memory_space<vmem>>) offsets(%dma_start3A_25 : memref<400xi32, #tpu.memory_space<vmem>>) semaphore(%arg16 : memref<!tpu.dma_semaphore, #tpu.memory_space<semaphore_mem>>)
    %dma_wait3A_29 = arith.constant 0 : i32
    %dma_wait3A_30 = tpu.memref_slice %arg8[%dma_wait3A_29] : memref<6400xi32, #tpu.memory_space<vmem>> -> memref<400xi32, #tpu.memory_space<vmem>>
    %dma_wait3A_31 = arith.constant 0 : i32
    %dma_wait3A_32 = arith.constant 0 : i32
    %dma_wait3A_33 = tpu.memref_slice %arg2[%dma_wait3A_31, %dma_wait3A_32] : memref<114688x32xf32, #tpu.memory_space<hbm>> -> memref<114688x32xf32, #tpu.memory_space<hbm>>
    tpu.wait_indirect_dma semaphore(%arg15 : memref<!tpu.dma_semaphore, #tpu.memory_space<semaphore_mem>>) src(%dma_wait3A_33 : memref<114688x32xf32, #tpu.memory_space<hbm>>) dst(%arg10 : memref<400x32xf32, #tpu.memory_space<vmem>>)
    %dma_wait3A_34 = arith.constant 0 : i32
    %dma_wait3A_35 = tpu.memref_slice %arg9[%dma_wait3A_34] : memref<6400xi32, #tpu.memory_space<vmem>> -> memref<400xi32, #tpu.memory_space<vmem>>
    %dma_wait3A_36 = arith.constant 0 : i32
    %dma_wait3A_37 = arith.constant 0 : i32
    %dma_wait3A_38 = tpu.memref_slice %arg3[%dma_wait3A_36, %dma_wait3A_37] : memref<1001x32xf32, #tpu.memory_space<hbm>> -> memref<1001x32xf32, #tpu.memory_space<hbm>>
    tpu.wait_indirect_dma semaphore(%arg15 : memref<!tpu.dma_semaphore, #tpu.memory_space<semaphore_mem>>) src(%dma_wait3A_38 : memref<1001x32xf32, #tpu.memory_space<hbm>>) dst(%arg11 : memref<400x32xf32, #tpu.memory_space<vmem>>)
    %add3A_39 = arith.constant 0 : i32
    %add3A_40 = arith.addi %mul3A_2, %add3A_39 : i32
    %dma_start3A_41 = arith.constant 0 : i32
    %dma_start3A_42 = tpu.memref_slice %arg6[%add3A_40, %dma_start3A_41] : memref<204800x32xf32, #tpu.memory_space<hbm>> -> memref<400x32xf32, #tpu.memory_space<hbm>>
    %dma_start3A_43 = arith.constant 0 : i32
    %dma_start3A_44 = tpu.memref_slice %arg6[%add3A_40, %dma_start3A_43] : memref<204800x32xf32, #tpu.memory_space<hbm>> -> memref<400x32xf32, #tpu.memory_space<hbm>>
    tpu.enqueue_dma source(%arg10 : memref<400x32xf32, #tpu.memory_space<vmem>>) target(%dma_start3A_44 : memref<400x32xf32, #tpu.memory_space<hbm>>) target_semaphore(%arg17 : memref<!tpu.dma_semaphore, #tpu.memory_space<semaphore_mem>>)
    %dma_start3A_45 = arith.constant 0 : i32
    %dma_start3A_46 = tpu.memref_slice %arg7[%add3A_40, %dma_start3A_45] : memref<204800x32xf32, #tpu.memory_space<hbm>> -> memref<400x32xf32, #tpu.memory_space<hbm>>
    %dma_start3A_47 = arith.constant 0 : i32
    %dma_start3A_48 = tpu.memref_slice %arg7[%add3A_40, %dma_start3A_47] : memref<204800x32xf32, #tpu.memory_space<hbm>> -> memref<400x32xf32, #tpu.memory_space<hbm>>
    tpu.enqueue_dma source(%arg11 : memref<400x32xf32, #tpu.memory_space<vmem>>) target(%dma_start3A_48 : memref<400x32xf32, #tpu.memory_space<hbm>>) target_semaphore(%arg17 : memref<!tpu.dma_semaphore, #tpu.memory_space<semaphore_mem>>)
    %scan3A = arith.constant 1 : i32
    %scan3A_49 = arith.constant 7 : i32
    %scan3A_50 = arith.addi %scan3A, %scan3A_49 : i32
    %scan3A_51 = arith.constant 1 : i32
    scf.for %scan3A_97 = %scan3A to %scan3A_50 step %scan3A_51  : i32 {
      %mul3A_98 = arith.constant 2 : i32
      %mul3A_99 = arith.muli %mul3A_98, %scan3A_97 : i32
      %dma_wait3A_100 = arith.constant 0 : i32
      %dma_wait3A_101 = arith.constant 0 : i32
      %dma_wait3A_102 = tpu.memref_slice %arg6[%dma_wait3A_100, %dma_wait3A_101] : memref<204800x32xf32, #tpu.memory_space<hbm>> -> memref<400x32xf32, #tpu.memory_space<hbm>>
      %dma_wait3A_103 = arith.constant 0 : i32
      %dma_wait3A_104 = arith.constant 0 : i32
      %dma_wait3A_105 = tpu.memref_slice %arg6[%dma_wait3A_103, %dma_wait3A_104] : memref<204800x32xf32, #tpu.memory_space<hbm>> -> memref<400x32xf32, #tpu.memory_space<hbm>>
      tpu.wait_dma2 semaphore(%arg17 : memref<!tpu.dma_semaphore, #tpu.memory_space<semaphore_mem>>) src(%arg10 : memref<400x32xf32, #tpu.memory_space<vmem>>) dst(%dma_wait3A_105 : memref<400x32xf32, #tpu.memory_space<hbm>>)
      %dma_wait3A_106 = arith.constant 0 : i32
      %dma_wait3A_107 = arith.constant 0 : i32
      %dma_wait3A_108 = tpu.memref_slice %arg7[%dma_wait3A_106, %dma_wait3A_107] : memref<204800x32xf32, #tpu.memory_space<hbm>> -> memref<400x32xf32, #tpu.memory_space<hbm>>
      %dma_wait3A_109 = arith.constant 0 : i32
      %dma_wait3A_110 = arith.constant 0 : i32
      %dma_wait3A_111 = tpu.memref_slice %arg7[%dma_wait3A_109, %dma_wait3A_110] : memref<204800x32xf32, #tpu.memory_space<hbm>> -> memref<400x32xf32, #tpu.memory_space<hbm>>
      tpu.wait_dma2 semaphore(%arg17 : memref<!tpu.dma_semaphore, #tpu.memory_space<semaphore_mem>>) src(%arg11 : memref<400x32xf32, #tpu.memory_space<vmem>>) dst(%dma_wait3A_111 : memref<400x32xf32, #tpu.memory_space<hbm>>)
      %mul3A_112 = arith.constant 400 : i32
      %mul3A_113 = arith.muli %mul3A_99, %mul3A_112 : i32
      %dma_start3A_114 = tpu.memref_slice %arg8[%mul3A_113] : memref<6400xi32, #tpu.memory_space<vmem>> -> memref<400xi32, #tpu.memory_space<vmem>>
      %dma_start3A_115 = arith.constant 0 : i32
      %dma_start3A_116 = arith.constant 0 : i32
      %dma_start3A_117 = tpu.memref_slice %arg2[%dma_start3A_115, %dma_start3A_116] : memref<114688x32xf32, #tpu.memory_space<hbm>> -> memref<114688x32xf32, #tpu.memory_space<hbm>>
      tpu.enqueue_indirect_dma source(%dma_start3A_117 : memref<114688x32xf32, #tpu.memory_space<hbm>>) target(%arg10 : memref<400x32xf32, #tpu.memory_space<vmem>>) offsets(%dma_start3A_114 : memref<400xi32, #tpu.memory_space<vmem>>) semaphore(%arg15 : memref<!tpu.dma_semaphore, #tpu.memory_space<semaphore_mem>>)
      %dma_start3A_118 = tpu.memref_slice %arg9[%mul3A_113] : memref<6400xi32, #tpu.memory_space<vmem>> -> memref<400xi32, #tpu.memory_space<vmem>>
      %dma_start3A_119 = arith.constant 0 : i32
      %dma_start3A_120 = arith.constant 0 : i32
      %dma_start3A_121 = tpu.memref_slice %arg3[%dma_start3A_119, %dma_start3A_120] : memref<1001x32xf32, #tpu.memory_space<hbm>> -> memref<1001x32xf32, #tpu.memory_space<hbm>>
      tpu.enqueue_indirect_dma source(%dma_start3A_121 : memref<1001x32xf32, #tpu.memory_space<hbm>>) target(%arg11 : memref<400x32xf32, #tpu.memory_space<vmem>>) offsets(%dma_start3A_118 : memref<400xi32, #tpu.memory_space<vmem>>) semaphore(%arg15 : memref<!tpu.dma_semaphore, #tpu.memory_space<semaphore_mem>>)
      %dma_wait3A_122 = arith.constant 0 : i32
      %dma_wait3A_123 = tpu.memref_slice %arg8[%dma_wait3A_122] : memref<6400xi32, #tpu.memory_space<vmem>> -> memref<400xi32, #tpu.memory_space<vmem>>
      %dma_wait3A_124 = arith.constant 0 : i32
      %dma_wait3A_125 = arith.constant 0 : i32
      %dma_wait3A_126 = tpu.memref_slice %arg2[%dma_wait3A_124, %dma_wait3A_125] : memref<114688x32xf32, #tpu.memory_space<hbm>> -> memref<114688x32xf32, #tpu.memory_space<hbm>>
      tpu.wait_indirect_dma semaphore(%arg16 : memref<!tpu.dma_semaphore, #tpu.memory_space<semaphore_mem>>) src(%dma_wait3A_126 : memref<114688x32xf32, #tpu.memory_space<hbm>>) dst(%arg12 : memref<400x32xf32, #tpu.memory_space<vmem>>)
      %dma_wait3A_127 = arith.constant 0 : i32
      %dma_wait3A_128 = tpu.memref_slice %arg9[%dma_wait3A_127] : memref<6400xi32, #tpu.memory_space<vmem>> -> memref<400xi32, #tpu.memory_space<vmem>>
      %dma_wait3A_129 = arith.constant 0 : i32
      %dma_wait3A_130 = arith.constant 0 : i32
      %dma_wait3A_131 = tpu.memref_slice %arg3[%dma_wait3A_129, %dma_wait3A_130] : memref<1001x32xf32, #tpu.memory_space<hbm>> -> memref<1001x32xf32, #tpu.memory_space<hbm>>
      tpu.wait_indirect_dma semaphore(%arg16 : memref<!tpu.dma_semaphore, #tpu.memory_space<semaphore_mem>>) src(%dma_wait3A_131 : memref<1001x32xf32, #tpu.memory_space<hbm>>) dst(%arg13 : memref<400x32xf32, #tpu.memory_space<vmem>>)
      %sub3A = arith.constant 1 : i32
      %sub3A_132 = arith.subi %mul3A_99, %sub3A : i32
      %mul3A_133 = arith.constant 400 : i32
      %mul3A_134 = arith.muli %sub3A_132, %mul3A_133 : i32
      %add3A_135 = arith.addi %mul3A_2, %mul3A_134 : i32
      %dma_start3A_136 = arith.constant 0 : i32
      %dma_start3A_137 = tpu.memref_slice %arg6[%add3A_135, %dma_start3A_136] : memref<204800x32xf32, #tpu.memory_space<hbm>> -> memref<400x32xf32, #tpu.memory_space<hbm>>
      %dma_start3A_138 = arith.constant 0 : i32
      %dma_start3A_139 = tpu.memref_slice %arg6[%add3A_135, %dma_start3A_138] : memref<204800x32xf32, #tpu.memory_space<hbm>> -> memref<400x32xf32, #tpu.memory_space<hbm>>
      tpu.enqueue_dma source(%arg12 : memref<400x32xf32, #tpu.memory_space<vmem>>) target(%dma_start3A_139 : memref<400x32xf32, #tpu.memory_space<hbm>>) target_semaphore(%arg18 : memref<!tpu.dma_semaphore, #tpu.memory_space<semaphore_mem>>)
      %dma_start3A_140 = arith.constant 0 : i32
      %dma_start3A_141 = tpu.memref_slice %arg7[%add3A_135, %dma_start3A_140] : memref<204800x32xf32, #tpu.memory_space<hbm>> -> memref<400x32xf32, #tpu.memory_space<hbm>>
      %dma_start3A_142 = arith.constant 0 : i32
      %dma_start3A_143 = tpu.memref_slice %arg7[%add3A_135, %dma_start3A_142] : memref<204800x32xf32, #tpu.memory_space<hbm>> -> memref<400x32xf32, #tpu.memory_space<hbm>>
      tpu.enqueue_dma source(%arg13 : memref<400x32xf32, #tpu.memory_space<vmem>>) target(%dma_start3A_143 : memref<400x32xf32, #tpu.memory_space<hbm>>) target_semaphore(%arg18 : memref<!tpu.dma_semaphore, #tpu.memory_space<semaphore_mem>>)
      %add3A_144 = arith.constant 1 : i32
      %add3A_145 = arith.addi %mul3A_99, %add3A_144 : i32
      %dma_wait3A_146 = arith.constant 0 : i32
      %dma_wait3A_147 = arith.constant 0 : i32
      %dma_wait3A_148 = tpu.memref_slice %arg6[%dma_wait3A_146, %dma_wait3A_147] : memref<204800x32xf32, #tpu.memory_space<hbm>> -> memref<400x32xf32, #tpu.memory_space<hbm>>
      %dma_wait3A_149 = arith.constant 0 : i32
      %dma_wait3A_150 = arith.constant 0 : i32
      %dma_wait3A_151 = tpu.memref_slice %arg6[%dma_wait3A_149, %dma_wait3A_150] : memref<204800x32xf32, #tpu.memory_space<hbm>> -> memref<400x32xf32, #tpu.memory_space<hbm>>
      tpu.wait_dma2 semaphore(%arg18 : memref<!tpu.dma_semaphore, #tpu.memory_space<semaphore_mem>>) src(%arg12 : memref<400x32xf32, #tpu.memory_space<vmem>>) dst(%dma_wait3A_151 : memref<400x32xf32, #tpu.memory_space<hbm>>)
      %dma_wait3A_152 = arith.constant 0 : i32
      %dma_wait3A_153 = arith.constant 0 : i32
      %dma_wait3A_154 = tpu.memref_slice %arg7[%dma_wait3A_152, %dma_wait3A_153] : memref<204800x32xf32, #tpu.memory_space<hbm>> -> memref<400x32xf32, #tpu.memory_space<hbm>>
      %dma_wait3A_155 = arith.constant 0 : i32
      %dma_wait3A_156 = arith.constant 0 : i32
      %dma_wait3A_157 = tpu.memref_slice %arg7[%dma_wait3A_155, %dma_wait3A_156] : memref<204800x32xf32, #tpu.memory_space<hbm>> -> memref<400x32xf32, #tpu.memory_space<hbm>>
      tpu.wait_dma2 semaphore(%arg18 : memref<!tpu.dma_semaphore, #tpu.memory_space<semaphore_mem>>) src(%arg13 : memref<400x32xf32, #tpu.memory_space<vmem>>) dst(%dma_wait3A_157 : memref<400x32xf32, #tpu.memory_space<hbm>>)
      %mul3A_158 = arith.constant 400 : i32
      %mul3A_159 = arith.muli %add3A_145, %mul3A_158 : i32
      %dma_start3A_160 = tpu.memref_slice %arg8[%mul3A_159] : memref<6400xi32, #tpu.memory_space<vmem>> -> memref<400xi32, #tpu.memory_space<vmem>>
      %dma_start3A_161 = arith.constant 0 : i32
      %dma_start3A_162 = arith.constant 0 : i32
      %dma_start3A_163 = tpu.memref_slice %arg2[%dma_start3A_161, %dma_start3A_162] : memref<114688x32xf32, #tpu.memory_space<hbm>> -> memref<114688x32xf32, #tpu.memory_space<hbm>>
      tpu.enqueue_indirect_dma source(%dma_start3A_163 : memref<114688x32xf32, #tpu.memory_space<hbm>>) target(%arg12 : memref<400x32xf32, #tpu.memory_space<vmem>>) offsets(%dma_start3A_160 : memref<400xi32, #tpu.memory_space<vmem>>) semaphore(%arg16 : memref<!tpu.dma_semaphore, #tpu.memory_space<semaphore_mem>>)
      %dma_start3A_164 = tpu.memref_slice %arg9[%mul3A_159] : memref<6400xi32, #tpu.memory_space<vmem>> -> memref<400xi32, #tpu.memory_space<vmem>>
      %dma_start3A_165 = arith.constant 0 : i32
      %dma_start3A_166 = arith.constant 0 : i32
      %dma_start3A_167 = tpu.memref_slice %arg3[%dma_start3A_165, %dma_start3A_166] : memref<1001x32xf32, #tpu.memory_space<hbm>> -> memref<1001x32xf32, #tpu.memory_space<hbm>>
      tpu.enqueue_indirect_dma source(%dma_start3A_167 : memref<1001x32xf32, #tpu.memory_space<hbm>>) target(%arg13 : memref<400x32xf32, #tpu.memory_space<vmem>>) offsets(%dma_start3A_164 : memref<400xi32, #tpu.memory_space<vmem>>) semaphore(%arg16 : memref<!tpu.dma_semaphore, #tpu.memory_space<semaphore_mem>>)
      %dma_wait3A_168 = arith.constant 0 : i32
      %dma_wait3A_169 = tpu.memref_slice %arg8[%dma_wait3A_168] : memref<6400xi32, #tpu.memory_space<vmem>> -> memref<400xi32, #tpu.memory_space<vmem>>
      %dma_wait3A_170 = arith.constant 0 : i32
      %dma_wait3A_171 = arith.constant 0 : i32
      %dma_wait3A_172 = tpu.memref_slice %arg2[%dma_wait3A_170, %dma_wait3A_171] : memref<114688x32xf32, #tpu.memory_space<hbm>> -> memref<114688x32xf32, #tpu.memory_space<hbm>>
      tpu.wait_indirect_dma semaphore(%arg15 : memref<!tpu.dma_semaphore, #tpu.memory_space<semaphore_mem>>) src(%dma_wait3A_172 : memref<114688x32xf32, #tpu.memory_space<hbm>>) dst(%arg10 : memref<400x32xf32, #tpu.memory_space<vmem>>)
      %dma_wait3A_173 = arith.constant 0 : i32
      %dma_wait3A_174 = tpu.memref_slice %arg9[%dma_wait3A_173] : memref<6400xi32, #tpu.memory_space<vmem>> -> memref<400xi32, #tpu.memory_space<vmem>>
      %dma_wait3A_175 = arith.constant 0 : i32
      %dma_wait3A_176 = arith.constant 0 : i32
      %dma_wait3A_177 = tpu.memref_slice %arg3[%dma_wait3A_175, %dma_wait3A_176] : memref<1001x32xf32, #tpu.memory_space<hbm>> -> memref<1001x32xf32, #tpu.memory_space<hbm>>
      tpu.wait_indirect_dma semaphore(%arg15 : memref<!tpu.dma_semaphore, #tpu.memory_space<semaphore_mem>>) src(%dma_wait3A_177 : memref<1001x32xf32, #tpu.memory_space<hbm>>) dst(%arg11 : memref<400x32xf32, #tpu.memory_space<vmem>>)
      %sub3A_178 = arith.constant 1 : i32
      %sub3A_179 = arith.subi %add3A_145, %sub3A_178 : i32
      %mul3A_180 = arith.constant 400 : i32
      %mul3A_181 = arith.muli %sub3A_179, %mul3A_180 : i32
      %add3A_182 = arith.addi %mul3A_2, %mul3A_181 : i32
      %dma_start3A_183 = arith.constant 0 : i32
      %dma_start3A_184 = tpu.memref_slice %arg6[%add3A_182, %dma_start3A_183] : memref<204800x32xf32, #tpu.memory_space<hbm>> -> memref<400x32xf32, #tpu.memory_space<hbm>>
      %dma_start3A_185 = arith.constant 0 : i32
      %dma_start3A_186 = tpu.memref_slice %arg6[%add3A_182, %dma_start3A_185] : memref<204800x32xf32, #tpu.memory_space<hbm>> -> memref<400x32xf32, #tpu.memory_space<hbm>>
      tpu.enqueue_dma source(%arg10 : memref<400x32xf32, #tpu.memory_space<vmem>>) target(%dma_start3A_186 : memref<400x32xf32, #tpu.memory_space<hbm>>) target_semaphore(%arg17 : memref<!tpu.dma_semaphore, #tpu.memory_space<semaphore_mem>>)
      %dma_start3A_187 = arith.constant 0 : i32
      %dma_start3A_188 = tpu.memref_slice %arg7[%add3A_182, %dma_start3A_187] : memref<204800x32xf32, #tpu.memory_space<hbm>> -> memref<400x32xf32, #tpu.memory_space<hbm>>
      %dma_start3A_189 = arith.constant 0 : i32
      %dma_start3A_190 = tpu.memref_slice %arg7[%add3A_182, %dma_start3A_189] : memref<204800x32xf32, #tpu.memory_space<hbm>> -> memref<400x32xf32, #tpu.memory_space<hbm>>
      tpu.enqueue_dma source(%arg11 : memref<400x32xf32, #tpu.memory_space<vmem>>) target(%dma_start3A_190 : memref<400x32xf32, #tpu.memory_space<hbm>>) target_semaphore(%arg17 : memref<!tpu.dma_semaphore, #tpu.memory_space<semaphore_mem>>)
    }
    %scan3A_52 = arith.constant 7 : i32
    %dma_wait3A_53 = arith.constant 0 : i32
    %dma_wait3A_54 = tpu.memref_slice %arg8[%dma_wait3A_53] : memref<6400xi32, #tpu.memory_space<vmem>> -> memref<400xi32, #tpu.memory_space<vmem>>
    %dma_wait3A_55 = arith.constant 0 : i32
    %dma_wait3A_56 = arith.constant 0 : i32
    %dma_wait3A_57 = tpu.memref_slice %arg2[%dma_wait3A_55, %dma_wait3A_56] : memref<114688x32xf32, #tpu.memory_space<hbm>> -> memref<114688x32xf32, #tpu.memory_space<hbm>>
    tpu.wait_indirect_dma semaphore(%arg16 : memref<!tpu.dma_semaphore, #tpu.memory_space<semaphore_mem>>) src(%dma_wait3A_57 : memref<114688x32xf32, #tpu.memory_space<hbm>>) dst(%arg12 : memref<400x32xf32, #tpu.memory_space<vmem>>)
    %dma_wait3A_58 = arith.constant 0 : i32
    %dma_wait3A_59 = tpu.memref_slice %arg9[%dma_wait3A_58] : memref<6400xi32, #tpu.memory_space<vmem>> -> memref<400xi32, #tpu.memory_space<vmem>>
    %dma_wait3A_60 = arith.constant 0 : i32
    %dma_wait3A_61 = arith.constant 0 : i32
    %dma_wait3A_62 = tpu.memref_slice %arg3[%dma_wait3A_60, %dma_wait3A_61] : memref<1001x32xf32, #tpu.memory_space<hbm>> -> memref<1001x32xf32, #tpu.memory_space<hbm>>
    tpu.wait_indirect_dma semaphore(%arg16 : memref<!tpu.dma_semaphore, #tpu.memory_space<semaphore_mem>>) src(%dma_wait3A_62 : memref<1001x32xf32, #tpu.memory_space<hbm>>) dst(%arg13 : memref<400x32xf32, #tpu.memory_space<vmem>>)
    %add3A_63 = arith.constant 6000 : i32
    %add3A_64 = arith.addi %mul3A_2, %add3A_63 : i32
    %dma_start3A_65 = arith.constant 0 : i32
    %dma_start3A_66 = tpu.memref_slice %arg6[%add3A_64, %dma_start3A_65] : memref<204800x32xf32, #tpu.memory_space<hbm>> -> memref<400x32xf32, #tpu.memory_space<hbm>>
    %dma_start3A_67 = arith.constant 0 : i32
    %dma_start3A_68 = tpu.memref_slice %arg6[%add3A_64, %dma_start3A_67] : memref<204800x32xf32, #tpu.memory_space<hbm>> -> memref<400x32xf32, #tpu.memory_space<hbm>>
    tpu.enqueue_dma source(%arg12 : memref<400x32xf32, #tpu.memory_space<vmem>>) target(%dma_start3A_68 : memref<400x32xf32, #tpu.memory_space<hbm>>) target_semaphore(%arg18 : memref<!tpu.dma_semaphore, #tpu.memory_space<semaphore_mem>>)
    %dma_start3A_69 = arith.constant 0 : i32
    %dma_start3A_70 = tpu.memref_slice %arg7[%add3A_64, %dma_start3A_69] : memref<204800x32xf32, #tpu.memory_space<hbm>> -> memref<400x32xf32, #tpu.memory_space<hbm>>
    %dma_start3A_71 = arith.constant 0 : i32
    %dma_start3A_72 = tpu.memref_slice %arg7[%add3A_64, %dma_start3A_71] : memref<204800x32xf32, #tpu.memory_space<hbm>> -> memref<400x32xf32, #tpu.memory_space<hbm>>
    tpu.enqueue_dma source(%arg13 : memref<400x32xf32, #tpu.memory_space<vmem>>) target(%dma_start3A_72 : memref<400x32xf32, #tpu.memory_space<hbm>>) target_semaphore(%arg18 : memref<!tpu.dma_semaphore, #tpu.memory_space<semaphore_mem>>)
    %dma_wait3A_73 = arith.constant 0 : i32
    %dma_wait3A_74 = arith.constant 0 : i32
    %dma_wait3A_75 = tpu.memref_slice %arg6[%dma_wait3A_73, %dma_wait3A_74] : memref<204800x32xf32, #tpu.memory_space<hbm>> -> memref<400x32xf32, #tpu.memory_space<hbm>>
    %dma_wait3A_76 = arith.constant 0 : i32
    %dma_wait3A_77 = arith.constant 0 : i32
    %dma_wait3A_78 = tpu.memref_slice %arg6[%dma_wait3A_76, %dma_wait3A_77] : memref<204800x32xf32, #tpu.memory_space<hbm>> -> memref<400x32xf32, #tpu.memory_space<hbm>>
    tpu.wait_dma2 semaphore(%arg17 : memref<!tpu.dma_semaphore, #tpu.memory_space<semaphore_mem>>) src(%arg10 : memref<400x32xf32, #tpu.memory_space<vmem>>) dst(%dma_wait3A_78 : memref<400x32xf32, #tpu.memory_space<hbm>>)
    %dma_wait3A_79 = arith.constant 0 : i32
    %dma_wait3A_80 = arith.constant 0 : i32
    %dma_wait3A_81 = tpu.memref_slice %arg7[%dma_wait3A_79, %dma_wait3A_80] : memref<204800x32xf32, #tpu.memory_space<hbm>> -> memref<400x32xf32, #tpu.memory_space<hbm>>
    %dma_wait3A_82 = arith.constant 0 : i32
    %dma_wait3A_83 = arith.constant 0 : i32
    %dma_wait3A_84 = tpu.memref_slice %arg7[%dma_wait3A_82, %dma_wait3A_83] : memref<204800x32xf32, #tpu.memory_space<hbm>> -> memref<400x32xf32, #tpu.memory_space<hbm>>
    tpu.wait_dma2 semaphore(%arg17 : memref<!tpu.dma_semaphore, #tpu.memory_space<semaphore_mem>>) src(%arg11 : memref<400x32xf32, #tpu.memory_space<vmem>>) dst(%dma_wait3A_84 : memref<400x32xf32, #tpu.memory_space<hbm>>)
    %dma_wait3A_85 = arith.constant 0 : i32
    %dma_wait3A_86 = arith.constant 0 : i32
    %dma_wait3A_87 = tpu.memref_slice %arg6[%dma_wait3A_85, %dma_wait3A_86] : memref<204800x32xf32, #tpu.memory_space<hbm>> -> memref<400x32xf32, #tpu.memory_space<hbm>>
    %dma_wait3A_88 = arith.constant 0 : i32
    %dma_wait3A_89 = arith.constant 0 : i32
    %dma_wait3A_90 = tpu.memref_slice %arg6[%dma_wait3A_88, %dma_wait3A_89] : memref<204800x32xf32, #tpu.memory_space<hbm>> -> memref<400x32xf32, #tpu.memory_space<hbm>>
    tpu.wait_dma2 semaphore(%arg18 : memref<!tpu.dma_semaphore, #tpu.memory_space<semaphore_mem>>) src(%arg12 : memref<400x32xf32, #tpu.memory_space<vmem>>) dst(%dma_wait3A_90 : memref<400x32xf32, #tpu.memory_space<hbm>>)
    %dma_wait3A_91 = arith.constant 0 : i32
    %dma_wait3A_92 = arith.constant 0 : i32
    %dma_wait3A_93 = tpu.memref_slice %arg7[%dma_wait3A_91, %dma_wait3A_92] : memref<204800x32xf32, #tpu.memory_space<hbm>> -> memref<400x32xf32, #tpu.memory_space<hbm>>
    %dma_wait3A_94 = arith.constant 0 : i32
    %dma_wait3A_95 = arith.constant 0 : i32
    %dma_wait3A_96 = tpu.memref_slice %arg7[%dma_wait3A_94, %dma_wait3A_95] : memref<204800x32xf32, #tpu.memory_space<hbm>> -> memref<400x32xf32, #tpu.memory_space<hbm>>
    tpu.wait_dma2 semaphore(%arg18 : memref<!tpu.dma_semaphore, #tpu.memory_space<semaphore_mem>>) src(%arg13 : memref<400x32xf32, #tpu.memory_space<vmem>>) dst(%dma_wait3A_96 : memref<400x32xf32, #tpu.memory_space<hbm>>)
    return
  }
}

#map = affine_map<(d0, d1) -> (0, 0)>
#map1 = affine_map<(d0, d1) -> (0)>
module attributes {stable_mosaic.version = 14 : i64} {
  func.func @k(%arg0: i32, %arg1: i32, %arg2: memref<1015808x32xf32, #tpu.memory_space<hbm>>, %arg3: memref<204800xi32, #tpu.memory_space<hbm>>, %arg4: memref<204800x32xf32, #tpu.memory_space<hbm>>, %arg5: memref<6400xi32, #tpu.memory_space<vmem>>, %arg6: memref<400x32xf32, #tpu.memory_space<vmem>>, %arg7: memref<400x32xf32, #tpu.memory_space<vmem>>, %arg8: memref<!tpu.dma_semaphore, #tpu.memory_space<semaphore_mem>>, %arg9: memref<!tpu.dma_semaphore, #tpu.memory_space<semaphore_mem>>, %arg10: memref<!tpu.dma_semaphore, #tpu.memory_space<semaphore_mem>>, %arg11: memref<!tpu.dma_semaphore, #tpu.memory_space<semaphore_mem>>, %arg12: memref<!tpu.dma_semaphore, #tpu.memory_space<semaphore_mem>>) attributes {dimension_semantics = [#tpu.dimension_semantics<core_parallel>, #tpu.dimension_semantics<subcore_parallel>], iteration_bounds = array<i64: 2, 16>, scalar_prefetch = 0 : i64, scratch_operands = 8 : i64, tpu.core_type = #tpu.core_type<sc_vector_subcore>, window_params = [{transform_indices = #map}, {transform_indices = #map1}, {transform_indices = #map}]} {
    %mul3A = arith.constant 2 : i32
    %mul3A_0 = arith.muli %arg1, %mul3A : i32
    %add3A = arith.addi %mul3A_0, %arg0 : i32
    %mul3A_1 = arith.constant 6400 : i32
    %mul3A_2 = arith.muli %add3A, %mul3A_1 : i32
    %dma_start3A = tpu.memref_slice %arg3[%mul3A_2] : memref<204800xi32, #tpu.memory_space<hbm>> -> memref<6400xi32, #tpu.memory_space<hbm>>
    %dma_start3A_3 = tpu.memref_slice %arg3[%mul3A_2] : memref<204800xi32, #tpu.memory_space<hbm>> -> memref<6400xi32, #tpu.memory_space<hbm>>
    tpu.enqueue_dma source(%dma_start3A_3 : memref<6400xi32, #tpu.memory_space<hbm>>) target(%arg5 : memref<6400xi32, #tpu.memory_space<vmem>>) target_semaphore(%arg8 : memref<!tpu.dma_semaphore, #tpu.memory_space<semaphore_mem>>)
    %dma_wait3A = tpu.memref_slice %arg3[%mul3A_2] : memref<204800xi32, #tpu.memory_space<hbm>> -> memref<6400xi32, #tpu.memory_space<hbm>>
    %dma_wait3A_4 = tpu.memref_slice %arg3[%mul3A_2] : memref<204800xi32, #tpu.memory_space<hbm>> -> memref<6400xi32, #tpu.memory_space<hbm>>
    tpu.wait_dma2 semaphore(%arg8 : memref<!tpu.dma_semaphore, #tpu.memory_space<semaphore_mem>>) src(%dma_wait3A_4 : memref<6400xi32, #tpu.memory_space<hbm>>) dst(%arg5 : memref<6400xi32, #tpu.memory_space<vmem>>)
    %dma_start3A_5 = arith.constant 0 : i32
    %dma_start3A_6 = tpu.memref_slice %arg5[%dma_start3A_5] : memref<6400xi32, #tpu.memory_space<vmem>> -> memref<400xi32, #tpu.memory_space<vmem>>
    %dma_start3A_7 = arith.constant 0 : i32
    %dma_start3A_8 = arith.constant 0 : i32
    %dma_start3A_9 = tpu.memref_slice %arg2[%dma_start3A_7, %dma_start3A_8] : memref<1015808x32xf32, #tpu.memory_space<hbm>> -> memref<1015808x32xf32, #tpu.memory_space<hbm>>
    tpu.enqueue_indirect_dma source(%dma_start3A_9 : memref<1015808x32xf32, #tpu.memory_space<hbm>>) target(%arg6 : memref<400x32xf32, #tpu.memory_space<vmem>>) offsets(%dma_start3A_6 : memref<400xi32, #tpu.memory_space<vmem>>) semaphore(%arg9 : memref<!tpu.dma_semaphore, #tpu.memory_space<semaphore_mem>>)
    %dma_start3A_10 = arith.constant 400 : i32
    %dma_start3A_11 = tpu.memref_slice %arg5[%dma_start3A_10] : memref<6400xi32, #tpu.memory_space<vmem>> -> memref<400xi32, #tpu.memory_space<vmem>>
    %dma_start3A_12 = arith.constant 0 : i32
    %dma_start3A_13 = arith.constant 0 : i32
    %dma_start3A_14 = tpu.memref_slice %arg2[%dma_start3A_12, %dma_start3A_13] : memref<1015808x32xf32, #tpu.memory_space<hbm>> -> memref<1015808x32xf32, #tpu.memory_space<hbm>>
    tpu.enqueue_indirect_dma source(%dma_start3A_14 : memref<1015808x32xf32, #tpu.memory_space<hbm>>) target(%arg7 : memref<400x32xf32, #tpu.memory_space<vmem>>) offsets(%dma_start3A_11 : memref<400xi32, #tpu.memory_space<vmem>>) semaphore(%arg10 : memref<!tpu.dma_semaphore, #tpu.memory_space<semaphore_mem>>)
    %dma_wait3A_15 = arith.constant 0 : i32
    %dma_wait3A_16 = tpu.memref_slice %arg5[%dma_wait3A_15] : memref<6400xi32, #tpu.memory_space<vmem>> -> memref<400xi32, #tpu.memory_space<vmem>>
    %dma_wait3A_17 = arith.constant 0 : i32
    %dma_wait3A_18 = arith.constant 0 : i32
    %dma_wait3A_19 = tpu.memref_slice %arg2[%dma_wait3A_17, %dma_wait3A_18] : memref<1015808x32xf32, #tpu.memory_space<hbm>> -> memref<1015808x32xf32, #tpu.memory_space<hbm>>
    tpu.wait_indirect_dma semaphore(%arg9 : memref<!tpu.dma_semaphore, #tpu.memory_space<semaphore_mem>>) src(%dma_wait3A_19 : memref<1015808x32xf32, #tpu.memory_space<hbm>>) dst(%arg6 : memref<400x32xf32, #tpu.memory_space<vmem>>)
    %add3A_20 = arith.constant 0 : i32
    %add3A_21 = arith.addi %mul3A_2, %add3A_20 : i32
    %dma_start3A_22 = arith.constant 0 : i32
    %dma_start3A_23 = tpu.memref_slice %arg4[%add3A_21, %dma_start3A_22] : memref<204800x32xf32, #tpu.memory_space<hbm>> -> memref<400x32xf32, #tpu.memory_space<hbm>>
    %dma_start3A_24 = arith.constant 0 : i32
    %dma_start3A_25 = tpu.memref_slice %arg4[%add3A_21, %dma_start3A_24] : memref<204800x32xf32, #tpu.memory_space<hbm>> -> memref<400x32xf32, #tpu.memory_space<hbm>>
    tpu.enqueue_dma source(%arg6 : memref<400x32xf32, #tpu.memory_space<vmem>>) target(%dma_start3A_25 : memref<400x32xf32, #tpu.memory_space<hbm>>) target_semaphore(%arg11 : memref<!tpu.dma_semaphore, #tpu.memory_space<semaphore_mem>>)
    %scan3A = arith.constant 1 : i32
    %scan3A_26 = arith.constant 7 : i32
    %scan3A_27 = arith.addi %scan3A, %scan3A_26 : i32
    %scan3A_28 = arith.constant 1 : i32
    scf.for %scan3A_53 = %scan3A to %scan3A_27 step %scan3A_28  : i32 {
      %mul3A_54 = arith.constant 2 : i32
      %mul3A_55 = arith.muli %mul3A_54, %scan3A_53 : i32
      %dma_wait3A_56 = arith.constant 0 : i32
      %dma_wait3A_57 = arith.constant 0 : i32
      %dma_wait3A_58 = tpu.memref_slice %arg4[%dma_wait3A_56, %dma_wait3A_57] : memref<204800x32xf32, #tpu.memory_space<hbm>> -> memref<400x32xf32, #tpu.memory_space<hbm>>
      %dma_wait3A_59 = arith.constant 0 : i32
      %dma_wait3A_60 = arith.constant 0 : i32
      %dma_wait3A_61 = tpu.memref_slice %arg4[%dma_wait3A_59, %dma_wait3A_60] : memref<204800x32xf32, #tpu.memory_space<hbm>> -> memref<400x32xf32, #tpu.memory_space<hbm>>
      tpu.wait_dma2 semaphore(%arg11 : memref<!tpu.dma_semaphore, #tpu.memory_space<semaphore_mem>>) src(%arg6 : memref<400x32xf32, #tpu.memory_space<vmem>>) dst(%dma_wait3A_61 : memref<400x32xf32, #tpu.memory_space<hbm>>)
      %mul3A_62 = arith.constant 400 : i32
      %mul3A_63 = arith.muli %mul3A_55, %mul3A_62 : i32
      %dma_start3A_64 = tpu.memref_slice %arg5[%mul3A_63] : memref<6400xi32, #tpu.memory_space<vmem>> -> memref<400xi32, #tpu.memory_space<vmem>>
      %dma_start3A_65 = arith.constant 0 : i32
      %dma_start3A_66 = arith.constant 0 : i32
      %dma_start3A_67 = tpu.memref_slice %arg2[%dma_start3A_65, %dma_start3A_66] : memref<1015808x32xf32, #tpu.memory_space<hbm>> -> memref<1015808x32xf32, #tpu.memory_space<hbm>>
      tpu.enqueue_indirect_dma source(%dma_start3A_67 : memref<1015808x32xf32, #tpu.memory_space<hbm>>) target(%arg6 : memref<400x32xf32, #tpu.memory_space<vmem>>) offsets(%dma_start3A_64 : memref<400xi32, #tpu.memory_space<vmem>>) semaphore(%arg9 : memref<!tpu.dma_semaphore, #tpu.memory_space<semaphore_mem>>)
      %dma_wait3A_68 = arith.constant 0 : i32
      %dma_wait3A_69 = tpu.memref_slice %arg5[%dma_wait3A_68] : memref<6400xi32, #tpu.memory_space<vmem>> -> memref<400xi32, #tpu.memory_space<vmem>>
      %dma_wait3A_70 = arith.constant 0 : i32
      %dma_wait3A_71 = arith.constant 0 : i32
      %dma_wait3A_72 = tpu.memref_slice %arg2[%dma_wait3A_70, %dma_wait3A_71] : memref<1015808x32xf32, #tpu.memory_space<hbm>> -> memref<1015808x32xf32, #tpu.memory_space<hbm>>
      tpu.wait_indirect_dma semaphore(%arg10 : memref<!tpu.dma_semaphore, #tpu.memory_space<semaphore_mem>>) src(%dma_wait3A_72 : memref<1015808x32xf32, #tpu.memory_space<hbm>>) dst(%arg7 : memref<400x32xf32, #tpu.memory_space<vmem>>)
      %sub3A = arith.constant 1 : i32
      %sub3A_73 = arith.subi %mul3A_55, %sub3A : i32
      %mul3A_74 = arith.constant 400 : i32
      %mul3A_75 = arith.muli %sub3A_73, %mul3A_74 : i32
      %add3A_76 = arith.addi %mul3A_2, %mul3A_75 : i32
      %dma_start3A_77 = arith.constant 0 : i32
      %dma_start3A_78 = tpu.memref_slice %arg4[%add3A_76, %dma_start3A_77] : memref<204800x32xf32, #tpu.memory_space<hbm>> -> memref<400x32xf32, #tpu.memory_space<hbm>>
      %dma_start3A_79 = arith.constant 0 : i32
      %dma_start3A_80 = tpu.memref_slice %arg4[%add3A_76, %dma_start3A_79] : memref<204800x32xf32, #tpu.memory_space<hbm>> -> memref<400x32xf32, #tpu.memory_space<hbm>>
      tpu.enqueue_dma source(%arg7 : memref<400x32xf32, #tpu.memory_space<vmem>>) target(%dma_start3A_80 : memref<400x32xf32, #tpu.memory_space<hbm>>) target_semaphore(%arg12 : memref<!tpu.dma_semaphore, #tpu.memory_space<semaphore_mem>>)
      %add3A_81 = arith.constant 1 : i32
      %add3A_82 = arith.addi %mul3A_55, %add3A_81 : i32
      %dma_wait3A_83 = arith.constant 0 : i32
      %dma_wait3A_84 = arith.constant 0 : i32
      %dma_wait3A_85 = tpu.memref_slice %arg4[%dma_wait3A_83, %dma_wait3A_84] : memref<204800x32xf32, #tpu.memory_space<hbm>> -> memref<400x32xf32, #tpu.memory_space<hbm>>
      %dma_wait3A_86 = arith.constant 0 : i32
      %dma_wait3A_87 = arith.constant 0 : i32
      %dma_wait3A_88 = tpu.memref_slice %arg4[%dma_wait3A_86, %dma_wait3A_87] : memref<204800x32xf32, #tpu.memory_space<hbm>> -> memref<400x32xf32, #tpu.memory_space<hbm>>
      tpu.wait_dma2 semaphore(%arg12 : memref<!tpu.dma_semaphore, #tpu.memory_space<semaphore_mem>>) src(%arg7 : memref<400x32xf32, #tpu.memory_space<vmem>>) dst(%dma_wait3A_88 : memref<400x32xf32, #tpu.memory_space<hbm>>)
      %mul3A_89 = arith.constant 400 : i32
      %mul3A_90 = arith.muli %add3A_82, %mul3A_89 : i32
      %dma_start3A_91 = tpu.memref_slice %arg5[%mul3A_90] : memref<6400xi32, #tpu.memory_space<vmem>> -> memref<400xi32, #tpu.memory_space<vmem>>
      %dma_start3A_92 = arith.constant 0 : i32
      %dma_start3A_93 = arith.constant 0 : i32
      %dma_start3A_94 = tpu.memref_slice %arg2[%dma_start3A_92, %dma_start3A_93] : memref<1015808x32xf32, #tpu.memory_space<hbm>> -> memref<1015808x32xf32, #tpu.memory_space<hbm>>
      tpu.enqueue_indirect_dma source(%dma_start3A_94 : memref<1015808x32xf32, #tpu.memory_space<hbm>>) target(%arg7 : memref<400x32xf32, #tpu.memory_space<vmem>>) offsets(%dma_start3A_91 : memref<400xi32, #tpu.memory_space<vmem>>) semaphore(%arg10 : memref<!tpu.dma_semaphore, #tpu.memory_space<semaphore_mem>>)
      %dma_wait3A_95 = arith.constant 0 : i32
      %dma_wait3A_96 = tpu.memref_slice %arg5[%dma_wait3A_95] : memref<6400xi32, #tpu.memory_space<vmem>> -> memref<400xi32, #tpu.memory_space<vmem>>
      %dma_wait3A_97 = arith.constant 0 : i32
      %dma_wait3A_98 = arith.constant 0 : i32
      %dma_wait3A_99 = tpu.memref_slice %arg2[%dma_wait3A_97, %dma_wait3A_98] : memref<1015808x32xf32, #tpu.memory_space<hbm>> -> memref<1015808x32xf32, #tpu.memory_space<hbm>>
      tpu.wait_indirect_dma semaphore(%arg9 : memref<!tpu.dma_semaphore, #tpu.memory_space<semaphore_mem>>) src(%dma_wait3A_99 : memref<1015808x32xf32, #tpu.memory_space<hbm>>) dst(%arg6 : memref<400x32xf32, #tpu.memory_space<vmem>>)
      %sub3A_100 = arith.constant 1 : i32
      %sub3A_101 = arith.subi %add3A_82, %sub3A_100 : i32
      %mul3A_102 = arith.constant 400 : i32
      %mul3A_103 = arith.muli %sub3A_101, %mul3A_102 : i32
      %add3A_104 = arith.addi %mul3A_2, %mul3A_103 : i32
      %dma_start3A_105 = arith.constant 0 : i32
      %dma_start3A_106 = tpu.memref_slice %arg4[%add3A_104, %dma_start3A_105] : memref<204800x32xf32, #tpu.memory_space<hbm>> -> memref<400x32xf32, #tpu.memory_space<hbm>>
      %dma_start3A_107 = arith.constant 0 : i32
      %dma_start3A_108 = tpu.memref_slice %arg4[%add3A_104, %dma_start3A_107] : memref<204800x32xf32, #tpu.memory_space<hbm>> -> memref<400x32xf32, #tpu.memory_space<hbm>>
      tpu.enqueue_dma source(%arg6 : memref<400x32xf32, #tpu.memory_space<vmem>>) target(%dma_start3A_108 : memref<400x32xf32, #tpu.memory_space<hbm>>) target_semaphore(%arg11 : memref<!tpu.dma_semaphore, #tpu.memory_space<semaphore_mem>>)
    }
    %scan3A_29 = arith.constant 7 : i32
    %dma_wait3A_30 = arith.constant 0 : i32
    %dma_wait3A_31 = tpu.memref_slice %arg5[%dma_wait3A_30] : memref<6400xi32, #tpu.memory_space<vmem>> -> memref<400xi32, #tpu.memory_space<vmem>>
    %dma_wait3A_32 = arith.constant 0 : i32
    %dma_wait3A_33 = arith.constant 0 : i32
    %dma_wait3A_34 = tpu.memref_slice %arg2[%dma_wait3A_32, %dma_wait3A_33] : memref<1015808x32xf32, #tpu.memory_space<hbm>> -> memref<1015808x32xf32, #tpu.memory_space<hbm>>
    tpu.wait_indirect_dma semaphore(%arg10 : memref<!tpu.dma_semaphore, #tpu.memory_space<semaphore_mem>>) src(%dma_wait3A_34 : memref<1015808x32xf32, #tpu.memory_space<hbm>>) dst(%arg7 : memref<400x32xf32, #tpu.memory_space<vmem>>)
    %add3A_35 = arith.constant 6000 : i32
    %add3A_36 = arith.addi %mul3A_2, %add3A_35 : i32
    %dma_start3A_37 = arith.constant 0 : i32
    %dma_start3A_38 = tpu.memref_slice %arg4[%add3A_36, %dma_start3A_37] : memref<204800x32xf32, #tpu.memory_space<hbm>> -> memref<400x32xf32, #tpu.memory_space<hbm>>
    %dma_start3A_39 = arith.constant 0 : i32
    %dma_start3A_40 = tpu.memref_slice %arg4[%add3A_36, %dma_start3A_39] : memref<204800x32xf32, #tpu.memory_space<hbm>> -> memref<400x32xf32, #tpu.memory_space<hbm>>
    tpu.enqueue_dma source(%arg7 : memref<400x32xf32, #tpu.memory_space<vmem>>) target(%dma_start3A_40 : memref<400x32xf32, #tpu.memory_space<hbm>>) target_semaphore(%arg12 : memref<!tpu.dma_semaphore, #tpu.memory_space<semaphore_mem>>)
    %dma_wait3A_41 = arith.constant 0 : i32
    %dma_wait3A_42 = arith.constant 0 : i32
    %dma_wait3A_43 = tpu.memref_slice %arg4[%dma_wait3A_41, %dma_wait3A_42] : memref<204800x32xf32, #tpu.memory_space<hbm>> -> memref<400x32xf32, #tpu.memory_space<hbm>>
    %dma_wait3A_44 = arith.constant 0 : i32
    %dma_wait3A_45 = arith.constant 0 : i32
    %dma_wait3A_46 = tpu.memref_slice %arg4[%dma_wait3A_44, %dma_wait3A_45] : memref<204800x32xf32, #tpu.memory_space<hbm>> -> memref<400x32xf32, #tpu.memory_space<hbm>>
    tpu.wait_dma2 semaphore(%arg11 : memref<!tpu.dma_semaphore, #tpu.memory_space<semaphore_mem>>) src(%arg6 : memref<400x32xf32, #tpu.memory_space<vmem>>) dst(%dma_wait3A_46 : memref<400x32xf32, #tpu.memory_space<hbm>>)
    %dma_wait3A_47 = arith.constant 0 : i32
    %dma_wait3A_48 = arith.constant 0 : i32
    %dma_wait3A_49 = tpu.memref_slice %arg4[%dma_wait3A_47, %dma_wait3A_48] : memref<204800x32xf32, #tpu.memory_space<hbm>> -> memref<400x32xf32, #tpu.memory_space<hbm>>
    %dma_wait3A_50 = arith.constant 0 : i32
    %dma_wait3A_51 = arith.constant 0 : i32
    %dma_wait3A_52 = tpu.memref_slice %arg4[%dma_wait3A_50, %dma_wait3A_51] : memref<204800x32xf32, #tpu.memory_space<hbm>> -> memref<400x32xf32, #tpu.memory_space<hbm>>
    tpu.wait_dma2 semaphore(%arg12 : memref<!tpu.dma_semaphore, #tpu.memory_space<semaphore_mem>>) src(%arg7 : memref<400x32xf32, #tpu.memory_space<vmem>>) dst(%dma_wait3A_52 : memref<400x32xf32, #tpu.memory_space<hbm>>)
    return
  }
}

module attributes {stable_mosaic.version = 14 : i64} {
  func.func @body(%arg0: i32, %arg1: memref<32x16384xf32, #tpu.memory_space<vmem>>, %arg2: memref<128x128xf32, #tpu.memory_space<vmem>>, %arg3: memref<4096x128xf32, #tpu.memory_space<vmem>>) attributes {dimension_semantics = [#tpu.dimension_semantics<arbitrary>], iteration_bounds = array<i64: 62>, scalar_prefetch = 0 : i64, scratch_operands = 0 : i64, tpu.core_type = #tpu.core_type<tc>, window_params = [{transform_indices = @transform_0, window_bounds = array<i64: 32, 16384>}, {pipeline_mode = #tpu.pipeline_mode<synchronous>, transform_indices = @transform_1, window_bounds = array<i64: 128, 128>}, {transform_indices = @transform_2, window_bounds = array<i64: 4096, 128>}]} {
    %iota3A = tpu.iota {dimensions = array<i32: 1>} : vector<32x16384xi32>
    %mul3A = arith.constant 16384 : i32
    %mul3A_0 = arith.muli %arg0, %mul3A : i32
    %add3A = vector.broadcast %mul3A_0 : i32 to vector<32x16384xi32>
    %add3A_1 = arith.addi %iota3A, %add3A : vector<32x16384xi32>
    %lt3A = arith.constant 1000001 : i32
    %lt3A_2 = vector.broadcast %lt3A : i32 to vector<32x16384xi32>
    %lt3A_3 = arith.cmpi slt, %add3A_1, %lt3A_2 : vector<32x16384xi32>
    %get3A = arith.constant 0 : index
    %get3A_4 = arith.constant 0 : index
    %get3A_5 = vector.load %arg1[%get3A, %get3A_4] : memref<32x16384xf32, #tpu.memory_space<vmem>>, vector<32x16384xf32>
    %jit3A = arith.constant 0.000000e+00 : f32
    %broadcast_in_dim3A = vector.broadcast %jit3A : f32 to vector<32x16384xf32>
    %select_n3A = arith.select %lt3A_3, %get3A_5, %broadcast_in_dim3A : vector<32x16384xi1>, vector<32x16384xf32>
    %slice3A = vector.extract_strided_slice %select_n3A {offsets = [0, 0], sizes = [32, 4096], strides = [1, 1]} : vector<32x16384xf32> to vector<32x4096xf32>
    %get3A_6 = arith.constant 0 : index
    %get3A_7 = arith.constant 0 : index
    %get3A_8 = vector.load %arg2[%get3A_6, %get3A_7] : memref<128x128xf32, #tpu.memory_space<vmem>>, vector<32x128xf32>
    %dot_general3A = arith.constant dense<0.000000e+00> : vector<4096x128xf32>
    %dot_general3A_9 = tpu.matmul %slice3A, %get3A_8, %dot_general3A {dimension_numbers = #tpu.dot_dimension_numbers<[0], [0], [1], [1], [0, 1, 1, 1], [], []>, transpose_lhs_hint = false} : vector<32x4096xf32>, vector<32x128xf32>, vector<4096x128xf32> -> vector<4096x128xf32>
    %slice3A_10 = vector.extract_strided_slice %select_n3A {offsets = [0, 4096], sizes = [32, 4096], strides = [1, 1]} : vector<32x16384xf32> to vector<32x4096xf32>
    %get3A_11 = arith.constant 32 : index
    %get3A_12 = arith.constant 0 : index
    %get3A_13 = vector.load %arg2[%get3A_11, %get3A_12] : memref<128x128xf32, #tpu.memory_space<vmem>>, vector<32x128xf32>
    %dot_general3A_14 = arith.constant dense<0.000000e+00> : vector<4096x128xf32>
    %dot_general3A_15 = tpu.matmul %slice3A_10, %get3A_13, %dot_general3A_14 {dimension_numbers = #tpu.dot_dimension_numbers<[0], [0], [1], [1], [0, 1, 1, 1], [], []>, transpose_lhs_hint = false} : vector<32x4096xf32>, vector<32x128xf32>, vector<4096x128xf32> -> vector<4096x128xf32>
    %add3A_16 = arith.addf %dot_general3A_9, %dot_general3A_15 : vector<4096x128xf32>
    %slice3A_17 = vector.extract_strided_slice %select_n3A {offsets = [0, 8192], sizes = [32, 4096], strides = [1, 1]} : vector<32x16384xf32> to vector<32x4096xf32>
    %get3A_18 = arith.constant 64 : index
    %get3A_19 = arith.constant 0 : index
    %get3A_20 = vector.load %arg2[%get3A_18, %get3A_19] : memref<128x128xf32, #tpu.memory_space<vmem>>, vector<32x128xf32>
    %dot_general3A_21 = arith.constant dense<0.000000e+00> : vector<4096x128xf32>
    %dot_general3A_22 = tpu.matmul %slice3A_17, %get3A_20, %dot_general3A_21 {dimension_numbers = #tpu.dot_dimension_numbers<[0], [0], [1], [1], [0, 1, 1, 1], [], []>, transpose_lhs_hint = false} : vector<32x4096xf32>, vector<32x128xf32>, vector<4096x128xf32> -> vector<4096x128xf32>
    %add3A_23 = arith.addf %add3A_16, %dot_general3A_22 : vector<4096x128xf32>
    %slice3A_24 = vector.extract_strided_slice %select_n3A {offsets = [0, 12288], sizes = [32, 4096], strides = [1, 1]} : vector<32x16384xf32> to vector<32x4096xf32>
    %get3A_25 = arith.constant 96 : index
    %get3A_26 = arith.constant 0 : index
    %get3A_27 = vector.load %arg2[%get3A_25, %get3A_26] : memref<128x128xf32, #tpu.memory_space<vmem>>, vector<32x128xf32>
    %dot_general3A_28 = arith.constant dense<0.000000e+00> : vector<4096x128xf32>
    %dot_general3A_29 = tpu.matmul %slice3A_24, %get3A_27, %dot_general3A_28 {dimension_numbers = #tpu.dot_dimension_numbers<[0], [0], [1], [1], [0, 1, 1, 1], [], []>, transpose_lhs_hint = false} : vector<32x4096xf32>, vector<32x128xf32>, vector<4096x128xf32> -> vector<4096x128xf32>
    %add3A_30 = arith.addf %add3A_23, %dot_general3A_29 : vector<4096x128xf32>
    %swap3A = arith.constant 0 : index
    %swap3A_31 = arith.constant 0 : index
    %swap3A_32 = vector.load %arg3[%swap3A, %swap3A_31] : memref<4096x128xf32, #tpu.memory_space<vmem>>, vector<4096x128xf32>
    tpu.vector_store %arg3[%swap3A, %swap3A_31], %add3A_30 {strides = array<i32>} : memref<4096x128xf32, #tpu.memory_space<vmem>>, vector<4096x128xf32>,
    return
  }
  func.func @transform_0(%arg0: i32) -> (i32, i32) {
    %c0_i32 = arith.constant 0 : i32
    %c0_i32_0 = arith.constant 0 : i32
    return %c0_i32, %arg0 : i32, i32
  }
  func.func @transform_1(%arg0: i32) -> (i32, i32) {
    %c0_i32 = arith.constant 0 : i32
    %c0_i32_0 = arith.constant 0 : i32
    %c0_i32_1 = arith.constant 0 : i32
    return %c0_i32, %c0_i32_0 : i32, i32
  }
  func.func @transform_2(%arg0: i32) -> (i32, i32) {
    %c0_i32 = arith.constant 0 : i32
    %c0_i32_0 = arith.constant 0 : i32
    return %arg0, %c0_i32 : i32, i32
  }
}

module attributes {stable_mosaic.version = 14 : i64} {
  func.func @body(%arg0: i32, %arg1: memref<32x16384xf32, #tpu.memory_space<vmem>>, %arg2: memref<128x128xf32, #tpu.memory_space<vmem>>, %arg3: memref<4096x128xf32, #tpu.memory_space<vmem>>) attributes {dimension_semantics = [#tpu.dimension_semantics<arbitrary>], iteration_bounds = array<i64: 7>, scalar_prefetch = 0 : i64, scratch_operands = 0 : i64, tpu.core_type = #tpu.core_type<tc>, window_params = [{transform_indices = @transform_0, window_bounds = array<i64: 32, 16384>}, {pipeline_mode = #tpu.pipeline_mode<synchronous>, transform_indices = @transform_1, window_bounds = array<i64: 128, 128>}, {transform_indices = @transform_2, window_bounds = array<i64: 4096, 128>}]} {
    %iota3A = tpu.iota {dimensions = array<i32: 1>} : vector<32x16384xi32>
    %mul3A = arith.constant 16384 : i32
    %mul3A_0 = arith.muli %arg0, %mul3A : i32
    %add3A = vector.broadcast %mul3A_0 : i32 to vector<32x16384xi32>
    %add3A_1 = arith.addi %iota3A, %add3A : vector<32x16384xi32>
    %lt3A = arith.constant 100001 : i32
    %lt3A_2 = vector.broadcast %lt3A : i32 to vector<32x16384xi32>
    %lt3A_3 = arith.cmpi slt, %add3A_1, %lt3A_2 : vector<32x16384xi32>
    %get3A = arith.constant 0 : index
    %get3A_4 = arith.constant 0 : index
    %get3A_5 = vector.load %arg1[%get3A, %get3A_4] : memref<32x16384xf32, #tpu.memory_space<vmem>>, vector<32x16384xf32>
    %jit3A = arith.constant 0.000000e+00 : f32
    %broadcast_in_dim3A = vector.broadcast %jit3A : f32 to vector<32x16384xf32>
    %select_n3A = arith.select %lt3A_3, %get3A_5, %broadcast_in_dim3A : vector<32x16384xi1>, vector<32x16384xf32>
    %slice3A = vector.extract_strided_slice %select_n3A {offsets = [0, 0], sizes = [32, 4096], strides = [1, 1]} : vector<32x16384xf32> to vector<32x4096xf32>
    %get3A_6 = arith.constant 0 : index
    %get3A_7 = arith.constant 0 : index
    %get3A_8 = vector.load %arg2[%get3A_6, %get3A_7] : memref<128x128xf32, #tpu.memory_space<vmem>>, vector<32x128xf32>
    %dot_general3A = arith.constant dense<0.000000e+00> : vector<4096x128xf32>
    %dot_general3A_9 = tpu.matmul %slice3A, %get3A_8, %dot_general3A {dimension_numbers = #tpu.dot_dimension_numbers<[0], [0], [1], [1], [0, 1, 1, 1], [], []>, transpose_lhs_hint = false} : vector<32x4096xf32>, vector<32x128xf32>, vector<4096x128xf32> -> vector<4096x128xf32>
    %slice3A_10 = vector.extract_strided_slice %select_n3A {offsets = [0, 4096], sizes = [32, 4096], strides = [1, 1]} : vector<32x16384xf32> to vector<32x4096xf32>
    %get3A_11 = arith.constant 32 : index
    %get3A_12 = arith.constant 0 : index
    %get3A_13 = vector.load %arg2[%get3A_11, %get3A_12] : memref<128x128xf32, #tpu.memory_space<vmem>>, vector<32x128xf32>
    %dot_general3A_14 = arith.constant dense<0.000000e+00> : vector<4096x128xf32>
    %dot_general3A_15 = tpu.matmul %slice3A_10, %get3A_13, %dot_general3A_14 {dimension_numbers = #tpu.dot_dimension_numbers<[0], [0], [1], [1], [0, 1, 1, 1], [], []>, transpose_lhs_hint = false} : vector<32x4096xf32>, vector<32x128xf32>, vector<4096x128xf32> -> vector<4096x128xf32>
    %add3A_16 = arith.addf %dot_general3A_9, %dot_general3A_15 : vector<4096x128xf32>
    %slice3A_17 = vector.extract_strided_slice %select_n3A {offsets = [0, 8192], sizes = [32, 4096], strides = [1, 1]} : vector<32x16384xf32> to vector<32x4096xf32>
    %get3A_18 = arith.constant 64 : index
    %get3A_19 = arith.constant 0 : index
    %get3A_20 = vector.load %arg2[%get3A_18, %get3A_19] : memref<128x128xf32, #tpu.memory_space<vmem>>, vector<32x128xf32>
    %dot_general3A_21 = arith.constant dense<0.000000e+00> : vector<4096x128xf32>
    %dot_general3A_22 = tpu.matmul %slice3A_17, %get3A_20, %dot_general3A_21 {dimension_numbers = #tpu.dot_dimension_numbers<[0], [0], [1], [1], [0, 1, 1, 1], [], []>, transpose_lhs_hint = false} : vector<32x4096xf32>, vector<32x128xf32>, vector<4096x128xf32> -> vector<4096x128xf32>
    %add3A_23 = arith.addf %add3A_16, %dot_general3A_22 : vector<4096x128xf32>
    %slice3A_24 = vector.extract_strided_slice %select_n3A {offsets = [0, 12288], sizes = [32, 4096], strides = [1, 1]} : vector<32x16384xf32> to vector<32x4096xf32>
    %get3A_25 = arith.constant 96 : index
    %get3A_26 = arith.constant 0 : index
    %get3A_27 = vector.load %arg2[%get3A_25, %get3A_26] : memref<128x128xf32, #tpu.memory_space<vmem>>, vector<32x128xf32>
    %dot_general3A_28 = arith.constant dense<0.000000e+00> : vector<4096x128xf32>
    %dot_general3A_29 = tpu.matmul %slice3A_24, %get3A_27, %dot_general3A_28 {dimension_numbers = #tpu.dot_dimension_numbers<[0], [0], [1], [1], [0, 1, 1, 1], [], []>, transpose_lhs_hint = false} : vector<32x4096xf32>, vector<32x128xf32>, vector<4096x128xf32> -> vector<4096x128xf32>
    %add3A_30 = arith.addf %add3A_23, %dot_general3A_29 : vector<4096x128xf32>
    %swap3A = arith.constant 0 : index
    %swap3A_31 = arith.constant 0 : index
    %swap3A_32 = vector.load %arg3[%swap3A, %swap3A_31] : memref<4096x128xf32, #tpu.memory_space<vmem>>, vector<4096x128xf32>
    tpu.vector_store %arg3[%swap3A, %swap3A_31], %add3A_30 {strides = array<i32>} : memref<4096x128xf32, #tpu.memory_space<vmem>>, vector<4096x128xf32>,
    return
  }
  func.func @transform_0(%arg0: i32) -> (i32, i32) {
    %c0_i32 = arith.constant 0 : i32
    %c0_i32_0 = arith.constant 0 : i32
    return %c0_i32, %arg0 : i32, i32
  }
  func.func @transform_1(%arg0: i32) -> (i32, i32) {
    %c0_i32 = arith.constant 0 : i32
    %c0_i32_0 = arith.constant 0 : i32
    %c0_i32_1 = arith.constant 0 : i32
    return %c0_i32, %c0_i32_0 : i32, i32
  }
  func.func @transform_2(%arg0: i32) -> (i32, i32) {
    %c0_i32 = arith.constant 0 : i32
    %c0_i32_0 = arith.constant 0 : i32
    return %arg0, %c0_i32 : i32, i32
  }
}

module attributes {stable_mosaic.version = 14 : i64} {
  func.func @body(%arg0: memref<3x32xf32, #tpu.memory_space<vmem>>, %arg1: memref<32x128xf32, #tpu.memory_space<vmem>>, %arg2: memref<8x128xf32, #tpu.memory_space<vmem>>) attributes {dimension_semantics = [], scalar_prefetch = 0 : i64, scratch_operands = 0 : i64, tpu.core_type = #tpu.core_type<tc>} {
    %broadcast_in_dim3A = arith.constant 0.000000e+00 : f32
    %broadcast_in_dim3A_0 = vector.broadcast %broadcast_in_dim3A : f32 to vector<8x128xf32>
    %swap3A = arith.constant 0 : index
    %swap3A_1 = arith.constant 0 : index
    %swap3A_2 = vector.load %arg2[%swap3A, %swap3A_1] : memref<8x128xf32, #tpu.memory_space<vmem>>, vector<8x128xf32>
    tpu.vector_store %arg2[%swap3A, %swap3A_1], %broadcast_in_dim3A_0 {strides = array<i32>} : memref<8x128xf32, #tpu.memory_space<vmem>>, vector<8x128xf32>,
    %get3A = arith.constant 0 : index
    %get3A_3 = arith.constant 0 : index
    %get3A_4 = vector.load %arg0[%get3A, %get3A_3] : memref<3x32xf32, #tpu.memory_space<vmem>>, vector<3x32xf32>
    %get3A_5 = arith.constant 0 : index
    %get3A_6 = arith.constant 0 : index
    %get3A_7 = vector.load %arg1[%get3A_5, %get3A_6] : memref<32x128xf32, #tpu.memory_space<vmem>>, vector<32x128xf32>
    %dot_general3A = arith.constant dense<0.000000e+00> : vector<3x128xf32>
    %dot_general3A_8 = tpu.matmul %get3A_4, %get3A_7, %dot_general3A {dimension_numbers = #tpu.dot_dimension_numbers<[1], [0], [0], [1], [0, 0, 1, 1], [], []>, transpose_lhs_hint = false} : vector<3x32xf32>, vector<32x128xf32>, vector<3x128xf32> -> vector<3x128xf32>
    %swap3A_9 = arith.constant 0 : index
    %swap3A_10 = arith.constant 0 : index
    %swap3A_11 = vector.load %arg2[%swap3A_9, %swap3A_10] : memref<8x128xf32, #tpu.memory_space<vmem>>, vector<3x128xf32>
    tpu.vector_store %arg2[%swap3A_9, %swap3A_10], %dot_general3A_8 {strides = array<i32>} : memref<8x128xf32, #tpu.memory_space<vmem>>, vector<3x128xf32>,
    return
  }
}

module attributes {stable_mosaic.version = 14 : i64} {
  func.func @body(%arg0: i32, %arg1: memref<1024x128xf32, #tpu.memory_space<vmem>>, %arg2: memref<1024x128xf32, #tpu.memory_space<vmem>>, %arg3: memref<1024x128xf32, #tpu.memory_space<vmem>>, %arg4: memref<1x1x4096xi32, #tpu.memory_space<vmem>>, %arg5: memref<128x512xbf16, #tpu.memory_space<vmem>>, %arg6: memref<128x512xbf16, #tpu.memory_space<vmem>>, %arg7: memref<128x512xbf16, #tpu.memory_space<vmem>>, %arg8: memref<8x128xf32, #tpu.memory_space<vmem>>, %arg9: memref<1x128xf32, #tpu.memory_space<vmem>>, %arg10: memref<4096x128xf32, #tpu.memory_space<vmem>>) attributes {dimension_semantics = [#tpu.dimension_semantics<arbitrary>], iteration_bounds = array<i64: 50>, scalar_prefetch = 0 : i64, scratch_operands = 0 : i64, tpu.core_type = #tpu.core_type<tc>, window_params = [{transform_indices = @transform_0, window_bounds = array<i64: 1024, 128>}, {transform_indices = @transform_1, window_bounds = array<i64: 1024, 128>}, {transform_indices = @transform_2, window_bounds = array<i64: 1024, 128>}, {transform_indices = @transform_3, window_bounds = array<i64: 1, 1, 4096>}, {pipeline_mode = #tpu.pipeline_mode<synchronous>, transform_indices = @transform_4, window_bounds = array<i64: 128, 512>}, {pipeline_mode = #tpu.pipeline_mode<synchronous>, transform_indices = @transform_5, window_bounds = array<i64: 128, 512>}, {pipeline_mode = #tpu.pipeline_mode<synchronous>, transform_indices = @transform_6, window_bounds = array<i64: 128, 512>}, {pipeline_mode = #tpu.pipeline_mode<synchronous>, transform_indices = @transform_7, window_bounds = array<i64: 8, 128>}, {pipeline_mode = #tpu.pipeline_mode<synchronous>, transform_indices = @transform_8, window_bounds = array<i64: 1, 128>}, {transform_indices = @transform_9, window_bounds = array<i64: 4096, 128>}]} {
    %get3A = arith.constant 0 : index
    %get3A_0 = arith.constant 0 : index
    %get3A_1 = vector.load %arg1[%get3A, %get3A_0] : memref<1024x128xf32, #tpu.memory_space<vmem>>, vector<1024x128xf32>
    %convert_element_type3A = arith.truncf %get3A_1 : vector<1024x128xf32> to vector<1024x128xbf16>
    %get3A_2 = arith.constant 0 : index
    %get3A_3 = arith.constant 0 : index
    %get3A_4 = vector.load %arg5[%get3A_2, %get3A_3] : memref<128x512xbf16, #tpu.memory_space<vmem>>, vector<128x512xbf16>
    %dot_general3A = arith.constant dense<0.000000e+00> : vector<1024x512xf32>
    %dot_general3A_5 = tpu.matmul %convert_element_type3A, %get3A_4, %dot_general3A {dimension_numbers = #tpu.dot_dimension_numbers<[1], [0], [0], [1], [0, 0, 1, 1], [], []>, transpose_lhs_hint = false} : vector<1024x128xbf16>, vector<128x512xbf16>, vector<1024x512xf32> -> vector<1024x512xf32>
    %get3A_6 = arith.constant 0 : index
    %get3A_7 = arith.constant 0 : index
    %get3A_8 = vector.load %arg2[%get3A_6, %get3A_7] : memref<1024x128xf32, #tpu.memory_space<vmem>>, vector<1024x128xf32>
    %convert_element_type3A_9 = arith.truncf %get3A_8 : vector<1024x128xf32> to vector<1024x128xbf16>
    %get3A_10 = arith.constant 0 : index
    %get3A_11 = arith.constant 0 : index
    %get3A_12 = vector.load %arg6[%get3A_10, %get3A_11] : memref<128x512xbf16, #tpu.memory_space<vmem>>, vector<128x512xbf16>
    %dot_general3A_13 = arith.constant dense<0.000000e+00> : vector<1024x512xf32>
    %dot_general3A_14 = tpu.matmul %convert_element_type3A_9, %get3A_12, %dot_general3A_13 {dimension_numbers = #tpu.dot_dimension_numbers<[1], [0], [0], [1], [0, 0, 1, 1], [], []>, transpose_lhs_hint = false} : vector<1024x128xbf16>, vector<128x512xbf16>, vector<1024x512xf32> -> vector<1024x512xf32>
    %add3A = arith.addf %dot_general3A_5, %dot_general3A_14 : vector<1024x512xf32>
    %get3A_15 = arith.constant 0 : index
    %get3A_16 = arith.constant 0 : index
    %get3A_17 = vector.load %arg3[%get3A_15, %get3A_16] : memref<1024x128xf32, #tpu.memory_space<vmem>>, vector<1024x128xf32>
    %convert_element_type3A_18 = arith.truncf %get3A_17 : vector<1024x128xf32> to vector<1024x128xbf16>
    %get3A_19 = arith.constant 0 : index
    %get3A_20 = arith.constant 0 : index
    %get3A_21 = vector.load %arg7[%get3A_19, %get3A_20] : memref<128x512xbf16, #tpu.memory_space<vmem>>, vector<128x512xbf16>
    %dot_general3A_22 = arith.constant dense<0.000000e+00> : vector<1024x512xf32>
    %dot_general3A_23 = tpu.matmul %convert_element_type3A_18, %get3A_21, %dot_general3A_22 {dimension_numbers = #tpu.dot_dimension_numbers<[1], [0], [0], [1], [0, 0, 1, 1], [], []>, transpose_lhs_hint = false} : vector<1024x128xbf16>, vector<128x512xbf16>, vector<1024x512xf32> -> vector<1024x512xf32>
    %add3A_24 = arith.addf %add3A, %dot_general3A_23 : vector<1024x512xf32>
    %get3A_25 = arith.constant 0 : index
    %get3A_26 = arith.constant 0 : index
    %get3A_27 = arith.constant 0 : index
    %get3A_28 = vector.load %arg4[%get3A_25, %get3A_26, %get3A_27] : memref<1x1x4096xi32, #tpu.memory_space<vmem>>, vector<1x1x4096xi32>
    %get3A_29 = vector.shape_cast %get3A_28 : vector<1x1x4096xi32> to vector<4096xi32>
    %broadcast_in_dim3A = vector.shape_cast %get3A_29 : vector<4096xi32> to vector<4096x1xi32>
    %iota3A = tpu.iota {dimensions = array<i32: 1>} : vector<4096x8xi32>
    %eq3A = vector.broadcast %broadcast_in_dim3A : vector<4096x1xi32> to vector<4096x8xi32>
    %eq3A_30 = arith.cmpi eq, %eq3A, %iota3A : vector<4096x8xi32>
    %convert_element_type3A_31 = arith.extui %eq3A_30 : vector<4096x8xi1> to vector<4096x8xi32>
    %convert_element_type3A_32 = arith.sitofp %convert_element_type3A_31 : vector<4096x8xi32> to vector<4096x8xf32>
    %get3A_33 = arith.constant 0 : index
    %get3A_34 = arith.constant 0 : index
    %get3A_35 = vector.load %arg8[%get3A_33, %get3A_34] : memref<8x128xf32, #tpu.memory_space<vmem>>, vector<8x128xf32>
    %dot_general3A_36 = arith.constant dense<0.000000e+00> : vector<4096x128xf32>
    %dot_general3A_37 = tpu.matmul %convert_element_type3A_32, %get3A_35, %dot_general3A_36 {dimension_numbers = #tpu.dot_dimension_numbers<[1], [0], [0], [1], [0, 0, 1, 1], [], []>, transpose_lhs_hint = false} : vector<4096x8xf32>, vector<8x128xf32>, vector<4096x128xf32> -> vector<4096x128xf32>
    %reshape3A = vector.shape_cast %add3A_24 : vector<1024x512xf32> to vector<4096x128xf32>
    %add3A_38 = arith.addf %reshape3A, %dot_general3A_37 : vector<4096x128xf32>
    %get3A_39 = arith.constant 0 : index
    %get3A_40 = arith.constant 0 : index
    %get3A_41 = vector.load %arg9[%get3A_39, %get3A_40] : memref<1x128xf32, #tpu.memory_space<vmem>>, vector<1x128xf32>
    %add3A_42 = vector.broadcast %get3A_41 : vector<1x128xf32> to vector<4096x128xf32>
    %add3A_43 = arith.addf %add3A_38, %add3A_42 : vector<4096x128xf32>
    %swap3A = arith.constant 0 : index
    %swap3A_44 = arith.constant 0 : index
    %swap3A_45 = vector.load %arg10[%swap3A, %swap3A_44] : memref<4096x128xf32, #tpu.memory_space<vmem>>, vector<4096x128xf32>
    tpu.vector_store %arg10[%swap3A, %swap3A_44], %add3A_43 {strides = array<i32>} : memref<4096x128xf32, #tpu.memory_space<vmem>>, vector<4096x128xf32>,
    return
  }
  func.func @transform_0(%arg0: i32) -> (i32, i32) {
    %c0_i32 = arith.constant 0 : i32
    %c0_i32_0 = arith.constant 0 : i32
    return %arg0, %c0_i32 : i32, i32
  }
  func.func @transform_1(%arg0: i32) -> (i32, i32) {
    %c0_i32 = arith.constant 0 : i32
    %c0_i32_0 = arith.constant 0 : i32
    return %arg0, %c0_i32 : i32, i32
  }
  func.func @transform_2(%arg0: i32) -> (i32, i32) {
    %c0_i32 = arith.constant 0 : i32
    %c0_i32_0 = arith.constant 0 : i32
    return %arg0, %c0_i32 : i32, i32
  }
  func.func @transform_3(%arg0: i32) -> (i32, i32, i32) {
    %c0_i32 = arith.constant 0 : i32
    %c0_i32_0 = arith.constant 0 : i32
    %c0_i32_1 = arith.constant 0 : i32
    return %arg0, %c0_i32, %c0_i32_0 : i32, i32, i32
  }
  func.func @transform_4(%arg0: i32) -> (i32, i32) {
    %c0_i32 = arith.constant 0 : i32
    %c0_i32_0 = arith.constant 0 : i32
    %c0_i32_1 = arith.constant 0 : i32
    return %c0_i32, %c0_i32_0 : i32, i32
  }
  func.func @transform_5(%arg0: i32) -> (i32, i32) {
    %c0_i32 = arith.constant 0 : i32
    %c0_i32_0 = arith.constant 0 : i32
    %c0_i32_1 = arith.constant 0 : i32
    return %c0_i32, %c0_i32_0 : i32, i32
  }
  func.func @transform_6(%arg0: i32) -> (i32, i32) {
    %c0_i32 = arith.constant 0 : i32
    %c0_i32_0 = arith.constant 0 : i32
    %c0_i32_1 = arith.constant 0 : i32
    return %c0_i32, %c0_i32_0 : i32, i32
  }
  func.func @transform_7(%arg0: i32) -> (i32, i32) {
    %c0_i32 = arith.constant 0 : i32
    %c0_i32_0 = arith.constant 0 : i32
    %c0_i32_1 = arith.constant 0 : i32
    return %c0_i32, %c0_i32_0 : i32, i32
  }
  func.func @transform_8(%arg0: i32) -> (i32, i32) {
    %c0_i32 = arith.constant 0 : i32
    %c0_i32_0 = arith.constant 0 : i32
    %c0_i32_1 = arith.constant 0 : i32
    return %c0_i32, %c0_i32_0 : i32, i32
  }
  func.func @transform_9(%arg0: i32) -> (i32, i32) {
    %c0_i32 = arith.constant 0 : i32
    %c0_i32_0 = arith.constant 0 : i32
    return %arg0, %c0_i32 : i32, i32
  }
}

</mosaic_0001>

<sc_bundles>
// kernel: kernel.11.cloned.1.call-start
scs
__scs_entry_jumppad:
0x0: {  	(pc) =	sbr.rel $0x88, $3  }
0x1: {  	(tag) =	ssettag $0x0;
	lr =	simm.s32 $0x1  }
0x2: {  	[smem:$0x3F97] =	sst lr;
	_ =	strace $0xD0000000  }
0x3: {  	_ = 	snop  }
0x4: {  	_ = 	snop  }
0x5: {  	_ = 	snop  }
0x6: {  	_ = 	snop  }
0x7: {  	_ = 	snop  }
__scs_overlays_trampoline_lowered:
0x8: {  	[smem:$0x3FA6] =	sst s0  }
0x9: {  	[smem:$0x3FA7] =	sst s1  }
0xa: {  	[smem:$0x3FA8] =	sst s2  }
0xb: {  	[smem:$0x3FA9] =	sst s3  }
0xc: {  	[smem:$0x3FAA] =	sst s4  }
0xd: {  	[smem:$0x3FAB] =	sst s5  }
0xe: {  	[smem:$0x3FAC] =	sst s6  }
0xf: {  	[smem:$0x3FAD] =	sst s7  }
0x10: {  	[smem:$0x3FAE] =	sst s8  }
0x11: {  	[smem:$0x3FAF] =	sst s9;
	s0 =	simm.s32 @!p0 $0x0  }
0x12: {  	s1 =	sld [smem:$0x3F95];
	s0 =	simm.s32 @p0 $0x1  }
0x13: {  	[smem:$0x3FB0] =	sst s0;
	s0 =	simm.s32 @!p1 $0x0  }
0x14: {  	s2 =	sld [smem:$0x3F94];
	s0 =	simm.s32 @p1 $0x1  }
0x15: {  	[smem:$0x3FB1] =	sst s0;
	s0 =	simm.s32 @!p2 $0x0  }
0x16: {  	s3 =	sld [smem:$0x3FDB];
	s0 =	simm.s32 @p2 $0x1  }
0x17: {  	s4 =	simm.s32 $0x1BF5;
	[smem:$0x3FB3] =	sst s0  }
0x18: {  	s0 =	sld [smem:$0x3F96];
	_ =	swait.ge [sflag:s4], $0x0  }
0x19: {  	s7 =	sld [smem:$0x3F97]  }
0x1a: {  	s8 =	sadd.s32 $0xFFFFE003, lr  }
0x1b: {  	s9 =	sadd.s32 $0xFFFFFEF7, lr;
	s5 =	simm.s32 $0xFFFFFFFF;
	p2 =	slt.u32 s8, $0xFFFFF086  }
0x1c: {  	p1 =	slt.u32 s9, $0xF7A;
	s5 =	simm.s32 @!p2 $0x0  }
0x1d: {  	s5 =	simm.s32 @p1 $0x1;
	p0 =	seq.s32 s7, s2  }
0x1e: {  	s7 =	smul.u32 @!p0 $0xF7A, s2;
	p2 =	seq.s32 @!p0 s5, $0x0  }
0x1f: {  	s9 =	smul.u32 $0xF7A, s1;
	s8 =	simm.s32 @!p0 $0x1BF5;
	p2 =	por !p2, p0  }
0x20: {  	[sflag:s8] =	ssyncset.s32 @!p0 $0xFFFFF086;
	s6 =	sadd.s32 @!p0 s3, s7;
	s7 =	simm.s32 @!p0 $0x108  }
0x21: {  	s3 =	sadd.s32 s3, s9;
	s6 =	sadd.s32 @!p0 $0x88, s6;
	s7 =	simm.s32 @p2 $0x1082  }
0x22: {  	[simem:s7], [sflag:s8] =	dma.local @!p0 [hbm:s6], $0xF7A  }
0x23: {  	s9 =	sor.u32 $0xD0000000, s2;
	s6 =	simm.s32 $0x108;
	_ =	swait.ge @!p0 [sflag:s8], $0x0  }
0x24: {  	s3 =	sadd.s32 $0x88, s3;
	s6 =	simm.s32 @!p1 $0x1082;
	[sflag:s4] =	ssyncset.s32 $0xFFFFF086  }
0x25: {  	[simem:s6], [sflag:s4] =	dma.local [hbm:s3], $0xF7A  }
0x26: {  	[smem:$0x3F97] =	sst s1;
	(tag) =	ssettag s2;
	_ =	strace s9  }
0x27: {  	s1 =	sld [smem:$0x3FA7]  }
0x28: {  	s2 =	sld [smem:$0x3FA8]  }
0x29: {  	s4 =	sld [smem:$0x3FAA]  }
0x2a: {  	p0 =	seq.s32 s5, $0x0;
	s5 =	sld [smem:$0x3FAB]  }
0x2b: {  	s6 =	sld [smem:$0x3FAC]  }
0x2c: {  	s7 =	sld [smem:$0x3FAD]  }
0x2d: {  	s3 =	simm.s32 $0x108;
	s8 =	sld [smem:$0x3FAE]  }
0x2e: {  	s3 =	simm.s32 @!p0 $0x1082;
	s9 =	sld [smem:$0x3FAF]  }
0x2f: {  	lr =	sadd.s32 s0, s3;
	s0 =	sld [smem:$0x3FA6]  }
0x30: {  	s3 =	sld [smem:$0x3FA9]  }
0x31: {  	[smem:$0x3FB2] =	sst s10  }
0x32: {  	s10 =	sld [smem:$0x3FB0];
	_ =	sdelay $0x3  }
0x33: {  	p0 =	seq.s32 s10, $0x1;
	s10 =	sld [smem:$0x3FB2];
	_ =	sdelay $0x3  }
0x34: {  	[smem:$0x3FB2] =	sst s10  }
0x35: {  	s10 =	sld [smem:$0x3FB1];
	_ =	sdelay $0x3  }
0x36: {  	p1 =	seq.s32 s10, $0x1;
	s10 =	sld [smem:$0x3FB2];
	_ =	sdelay $0x3  }
0x37: {  	[smem:$0x3FB2] =	sst s10  }
0x38: {  	s10 =	sld [smem:$0x3FB3]  }
0x39: {  	_ = 	snop;
	(pc) =	sbr.ind lr, $3  }
0x3a: {  	_ = 	snop  }
0x3b: {  	_ = 	snop  }
0x3c: {  	p2 =	seq.s32 s10, $0x1;
	s10 =	sld [smem:$0x3FB2]  }
0x3d: {  	_ =	shalt  }
0x3e: {  	_ =	shalt  }
0x3f: {  	_ =	shalt  }
0x40: {  	_ =	shalt  }
0x41: {  	_ =	shalt  }
0x42: {  	_ =	shalt  }
0x43: {  	_ =	shalt  }
0x44: {  	_ =	shalt  }
0x45: {  	_ =	shalt  }
0x46: {  	_ =	shalt  }
0x47: {  	_ =	shalt  }
0x48: {  	_ =	shalt  }
0x49: {  	_ =	shalt  }
0x4a: {  	_ =	shalt  }
0x4b: {  	_ =	shalt  }
0x4c: {  	_ =	shalt  }
0x4d: {  	_ =	shalt  }
0x4e: {  	_ =	shalt  }
0x4f: {  	_ =	shalt  }
0x50: {  	_ =	shalt  }
0x51: {  	_ =	shalt  }
0x52: {  	_ =	shalt  }
0x53: {  	_ =	shalt  }
0x54: {  	_ =	shalt  }
0x55: {  	_ =	shalt  }
0x56: {  	_ =	shalt  }
0x57: {  	_ =	shalt  }
0x58: {  	_ =	shalt  }
0x59: {  	_ =	shalt  }
0x5a: {  	_ =	shalt  }
0x5b: {  	_ =	shalt  }
0x5c: {  	_ =	shalt  }
0x5d: {  	_ =	shalt  }
0x5e: {  	_ =	shalt  }
0x5f: {  	_ =	shalt  }
0x60: {  	_ =	shalt  }
0x61: {  	_ =	shalt  }
0x62: {  	_ =	shalt  }
0x63: {  	_ =	shalt  }
0x64: {  	_ =	shalt  }
0x65: {  	_ =	shalt  }
0x66: {  	_ =	shalt  }
0x67: {  	_ =	shalt  }
0x68: {  	_ =	shalt  }
0x69: {  	_ =	shalt  }
0x6a: {  	_ =	shalt  }
0x6b: {  	_ =	shalt  }
0x6c: {  	_ =	shalt  }
0x6d: {  	_ =	shalt  }
0x6e: {  	_ =	shalt  }
0x6f: {  	_ =	shalt  }
0x70: {  	_ =	shalt  }
0x71: {  	_ =	shalt  }
0x72: {  	_ =	shalt  }
0x73: {  	_ =	shalt  }
0x74: {  	_ =	shalt  }
0x75: {  	_ =	shalt  }
0x76: {  	_ =	shalt  }
0x77: {  	_ =	shalt  }
0x78: {  	_ =	shalt  }
0x79: {  	_ =	shalt  }
0x7a: {  	_ =	shalt  }
0x7b: {  	_ =	shalt  }
0x7c: {  	_ =	shalt  }
0x7d: {  	_ =	shalt  }
0x7e: {  	_ =	shalt  }
0x7f: {  	_ =	shalt  }
0x80: {  	_ =	shalt  }
0x81: {  	_ =	shalt  }
0x82: {  	_ =	shalt  }
0x83: {  	_ =	shalt  }
0x84: {  	_ =	shalt  }
0x85: {  	_ =	shalt  }
0x86: {  	_ =	shalt  }
0x87: {  	_ =	shalt  }
.Lfunc_end0:
.L_simem_size_0:
called_computation.1_lowered:
.L_overlay_start_0:
0x88: {  	s2 =	sld [smem:$0x3FD9]  }
0x89: {  	s3 =	sld [smem:$0x3FFE];
	_ =	sdelay $0x1  }
0x8a: {  	s1 =	srdreg.scid  }
0x8b: {  	s0 =	sand.u32 $0x1, s1  }
0x8c: {  	s16 =	sshll.u32 s0, $0xA;
	s2 =	sadd.s32 s3, s2  }
0x8d: {  	s2 =	sadd.s32 s2, s16  }
0x8e: {  	[smem:$0x3FBE] =	sst s2  }
0x8f: {  	_ = 	snop  }
0x90: {  	(tm) =	ssettm $0x1  }
0x91: {  	s17 =	sld [smem:$0x3FFB];
	_ =	sdelay $0x3  }
0x92: {  	_ =	strace s17  }
0x93: {  	s2 =	sld [smem:$0x3FFC];
	_ =	sdelay $0x3  }
0x94: {  	_ =	strace s2  }
0x95: {  	s2 =	sld [smem:$0x3FFD];
	_ =	sdelay $0x3  }
0x96: {  	_ =	strace s2  }
0x97: {  	_ =	strace $0x8FFFFFFF  }
0x98: {  	s18 =	sld [smem:$0x3FDB];
	_ =	sdelay $0x1  }
0x99: {  	s19 =	simm.s32 $_scs_section_size  }
0x9a: {  	s4 =	simm.s32 $_size__tile_overlayer_lowered;
	s5 =	simm.s32 $_tile_overlayer_lowered  }
0x9b: {  	s22 =	simm.s32 $0x1BFF;
	s21 =	sshll.u32 s5, $0x1;
	s2 =	sadd.s32 s19, s18  }
0x9c: {  	s6 =	simm.s32 $0x0;
	s20 =	sshll.u32 s4, $0x1;
	s4 =	sadd.s32 s21, s2  }
0x9d: {  	[timem:s6], [sflag:s22] =	dma.local [hbm:s4], s20  }
0x9e: {  	_ =	swait.ge [sflag:s22], s20  }
0x9f: {  	s3 =	ssub.s32 $0x0, s20;
	[sflag:s22] =	ssyncset.done $0x0  }
0xa0: {  	[sflag:s22] =	ssyncadd.s32 s3;
	_ =	sdelay $0x1  }
0xa1: {  	s23 =	simm.s32 $0x1B8B  }
0xa2: {  	_ =	swait.ge [sflag:s23], $0x1  }
0xa3: {  	[sflag:s23] =	ssyncset.done $0x0  }
0xa4: {  	s25 =	simm.s32 $0x1B8E;
	s24 =	sld [smem:$0x3FFE];
	[sflag:s23] =	ssyncadd.s32 $0xFFFFFFFF  }
0xa5: {  	s26 =	simm.s32 $execute0_lowered;
	[smem:$0x3FD2] =	sst s25  }
0xa6: {  	s4 =	sshll.u32 s26, $0x1;
	_ =	strace $0x80000046;
	[dreg:$0x1] =	wrdreg $0xFFFFFFFF  }
0xa7: {  	s28 =	simm.s32 $_size_execute0_lowered;
	s2 =	sadd.s32 s2, s4;
	[dreg:$0x0] =	wrdreg $0x0  }
0xa8: {  	s4 =	sshll.u32 s28, $0x1;
	[dreg:$0x2] =	wrdreg s2  }
0xa9: {  	[dreg:$0x3] =	wrdreg s4  }
0xaa: {  	[dreg:$0x4] =	wrdreg $0xC0  }
0xab: {  	_ =	task [dreg:s6], $0x5FFFF  }
0xac: {  	[dreg:$0x1] =	wrdreg $0xFFFFFFFF  }
0xad: {  	[dreg:$0x0] =	wrdreg $0x60  }
0xae: {  	[dreg:$0x2] =	wrdreg s24  }
0xaf: {  	[dreg:$0x3] =	wrdreg $0xA  }
0xb0: {  	_ =	task.clear_ibuf [dreg:s6], $0x4FFFF;
	_ =	strace $0x90000046  }
0xb1: {  	s29 =	simm.s32 $0xA;
	_ =	strace $0x80000048  }
0xb2: {  	_ =	swait.ge [sflag:s29], $0x1  }
0xb3: {  	[sflag:s29] =	ssyncadd.s32 $0xFFFFFFFF  }
0xb4: {  	_ =	strace $0x90000048  }
0xb5: {  	_ =	sfence  }
0xb6: {  	s30 =	sld [smem:$0x0];
	_ =	sdelay $0x2  }
0xb7: {  	s31 =	sshll.u32 s1, $0xD;
	s1 =	sshrl.u32 s1, $0x2  }
0xb8: {  	s3 =	sand.u32 $0x4000, s31;
	s1 =	sadd.s32 s1, s30  }
0xb9: {  	s0 =	sor.u32 s3, s0;
	s1 =	sshll.u32 s1, $0x11  }
0xba: {  	s0 =	sor.u32 s1, s0  }
0xbb: {  	s0 =	sadd.s32 $0x8F2B, s0  }
0xbc: {  	[sflag:s0] =	ssyncadd.remote.s32 $0x1  }
0xbd: {  	_ =	sfence.sel $0xFFFF  }
0xbe: {  	[dreg:$0x0] =	wrdreg $0xFFFFFFFF;
	(pc) =	sbr.abs _section_cstart, $3  }
0xbf: {  	[dreg:$0x1] =	wrdreg $0xFFFFFFFF  }
0xc0: {  	_ =	task.clear_ibuf [dreg:s6], $0x2FFFF;
	_ =	strace $0x9FFFFFFF  }
0xc1: {  	(tm) =	ssettm $0x7FFFFFFF  }
tec
execute0_lowered:
.L_overlay_start_1:
0x0: {  	(tag) =	ssettag $0x1  }
0x1: {  	s1 =	srdreg.scid;
	s0 =	stileid.u32  }
0x2: {  	s4 =	rddreg [dreg:$0x0];
	s2 =	simm.s32 $0x0;
	s13 =	simm.s32 $0x4B00  }
0x3: {  	s14 =	simm.s32 $0x2;
	s15 =	simm.s32 $0x4;
	s16 =	simm.s32 $0x3  }
0x4: {  	s17 =	simm.s32 $0x5;
	s18 =	simm.s32 $0x0;
	s5 =	sand.u32 $0x1, s1  }
0x5: {  	s3 =	sshll.u32 s0, $0x1;
	s1 =	rddreg [dreg:$0x1];
	s8 =	smul.u32 $0x3200, s0  }
0x6: {  	s6 =	sor.u32 s5, s3;
	s9 =	ssub.s32 $0x2, s5;
	s5 =	smul.u32 $0x1900, s5  }
0x7: {  	[smem:$0x7FF] =	sst s2;
	s10 =	sadd.s32 $0x3E8600, s4;
	s7 =	smul.u32 $0x1900, s6  }
0x8: {  	_ =	strace $0x80000047;
	s26 =	sshrl.u32 s9, $0x1;
	s11 =	smul.u32 $0x32000, s6  }
0x9: {  	s3 =	sadd.s32 $0x8600, s4;
	s6 =	smul.u32 $0x6400, s6;
	s9 =	ssub.s32 s9, s26  }
0xa: {  	s5 =	sadd.s32 s5, s8;
	s7 =	sshrl.u32 s7, $0x3;
	s28 =	sshrl.u32 s11, $0x3  }
0xb: {  	s8 =	sshll.u32 s5, $0x2;
	s5 =	sadd.s32 s10, s6;
	s11 =	simm.s32 $0x190  }
0xc: {  	s7 =	sadd.s32 s7, s4;
	s29 =	sadd.s32 s10, s28;
	s30 =	sadd.s32 $0x20000640, s8  }
0xd: {  	s12 =	sadd.s32 s10, s8;
	s4 =	sadd.s32 $0x2200, s7;
	s6 =	sadd.s32 $0x5DC0, s29  }
0xe: {  	s31 =	sand.u32 $0x3FFE40, s30;
	s7 =	smax.u32 s9, $0x1;
	s9 =	sadd.s32 $0xC80, s12  }
0xf: {  	s12 =	simm.s32 $0x1900;
	s8 =	sadd.s32 s31, s10;
	s10 =	simm.s32 $0x1  }
.LBB2_1:
0x10: {  	[tilespmem:s2], [sflag:$0x1] =	stream.linear.gather [hbm4b:s4+s2], $0x1900, $0x38;
	[tilespmem:$0x7D00] =	vst v63  }
0x11: {  	_ =	swait.ge [sflag:s10], $0x1900  }
0x12: {  	[sflag:s10] =	ssyncset.done $0x0  }
0x13: {  	[sflag:s10] =	ssyncadd.s32 $0xFFFFE700  }
0x14: {  	[tilespmem:s12], [sflag:$0x2] =	stream.indirect.gather [hbm4b:s3+s11], $0x20, s2, s11, $0xb8;
	[tilespmem:$0x7D00] =	vst v63  }
0x15: {  	_ = 	snop  }
0x16: {  	[tilespmem:s13], [sflag:$0x3] =	stream.indirect.gather [hbm4b:s3+s11], $0x20, s11, s11, $0xb8;
	[tilespmem:$0x7D00] =	vst v63  }
0x17: {  	_ =	swait.ge [sflag:s14], $0x3200  }
0x18: {  	[sflag:s14] =	ssyncset.done $0x0  }
0x19: {  	[sflag:s14] =	ssyncadd.s32 $0xFFFFCE00  }
0x1a: {  	[hbm4b:s5+s2] =	stream.linear.scatter [tilespmem:s12], [sflag:$0x4], $0x3200, $0x38;
	[tilespmem:$0x7D00] =	vst v63  }
0x1b: {  	_ =	swait.ge [sflag:s15], $0x3200  }
0x1c: {  	[sflag:s15] =	ssyncset.done $0x0  }
0x1d: {  	s19 =	simm.s32 $0x320;
	[sflag:s15] =	ssyncadd.s32 $0xFFFFCE00  }
0x1e: {  	[tilespmem:s12], [sflag:$0x2] =	stream.indirect.gather [hbm4b:s3+s11], $0x20, s19, s11, $0xb8;
	[tilespmem:$0x7D00] =	vst v63  }
0x1f: {  	_ =	swait.ge [sflag:s16], $0x3200  }
0x20: {  	[sflag:s16] =	ssyncset.done $0x0  }
0x21: {  	s30 =	sadd.s32 $0x0, s8;
	[sflag:s16] =	ssyncadd.s32 $0xFFFFCE00  }
0x22: {  	[hbm4b:s30+s2] =	stream.linear.scatter [tilespmem:s13], [sflag:$0x5], $0x3200, $0x38;
	[tilespmem:$0x7D00] =	vst v63  }
0x23: {  	_ =	swait.ge [sflag:s17], $0x3200  }
0x24: {  	[sflag:s17] =	ssyncset.done $0x0  }
0x25: {  	s31 =	simm.s32 $0x4B0;
	[sflag:s17] =	ssyncadd.s32 $0xFFFFCE00  }
0x26: {  	[tilespmem:s13], [sflag:$0x3] =	stream.indirect.gather [hbm4b:s3+s11], $0x20, s31, s11, $0xb8;
	[tilespmem:$0x7D00] =	vst v63  }
0x27: {  	_ =	swait.ge [sflag:s14], $0x3200  }
0x28: {  	[sflag:s14] =	ssyncset.done $0x0  }
0x29: {  	s20 =	sadd.s32 $0x0, s9;
	s19 =	simm.s32 $0xC80;
	[sflag:s14] =	ssyncadd.s32 $0xFFFFCE00  }
.LBB2_2:
0x2a: {  	[hbm4b:s20+s2] =	stream.linear.scatter [tilespmem:s12], [sflag:$0x4], $0x3200, $0x38;
	[tilespmem:$0x7D00] =	vst v63  }
0x2b: {  	s20 =	smov.u32 s19  }
0x2c: {  	p0 =	sne.s32 s19, $0x4B00;
	s19 =	sadd.s32 $0xC80, s19;
	_ =	swait.ge [sflag:s15], $0x3200  }
0x2d: {  	s21 =	sshra.s32 s20, $0x2;
	[sflag:s15] =	ssyncset.done $0x0  }
0x2e: {  	s22 =	sadd.s32 $0x320, s21;
	[sflag:s15] =	ssyncadd.s32 $0xFFFFCE00  }
0x2f: {  	[tilespmem:s12], [sflag:$0x2] =	stream.indirect.gather [hbm4b:s3+s11], $0x20, s22, s11, $0xb8;
	[tilespmem:$0x7D00] =	vst v63  }
0x30: {  	_ =	swait.ge [sflag:s16], $0x3200  }
0x31: {  	[sflag:s16] =	ssyncset.done $0x0  }
0x32: {  	s22 =	sadd.s32 s20, s8;
	[sflag:s16] =	ssyncadd.s32 $0xFFFFCE00  }
0x33: {  	[hbm4b:s22+s2] =	stream.linear.scatter [tilespmem:s13], [sflag:$0x5], $0x3200, $0x38;
	[tilespmem:$0x7D00] =	vst v63  }
0x34: {  	_ =	swait.ge [sflag:s17], $0x3200  }
0x35: {  	[sflag:s17] =	ssyncset.done $0x0  }
.Ltmp0:
0x36: {  	s21 =	sadd.s32 $0x4B0, s21;
	[sflag:s17] =	ssyncadd.s32 $0xFFFFCE00;
	(pc) =	sbr.rel @p0 .LBB2_2-.Ltmp0, $4  }
0x37: {  	[tilespmem:s13], [sflag:$0x3] =	stream.indirect.gather [hbm4b:s3+s11], $0x20, s21, s11, $0xb8;
	[tilespmem:$0x7D00] =	vst v63  }
0x38: {  	_ =	swait.ge [sflag:s14], $0x3200  }
0x39: {  	[sflag:s14] =	ssyncset.done $0x0  }
0x3a: {  	s20 =	sadd.s32 s20, s9;
	[sflag:s14] =	ssyncadd.s32 $0xFFFFCE00  }
0x3b: {  	[hbm4b:s20+s2] =	stream.linear.scatter [tilespmem:s12], [sflag:$0x4], $0x3200, $0x38;
	[tilespmem:$0x7D00] =	vst v63  }
0x3c: {  	_ =	swait.ge [sflag:s16], $0x3200  }
0x3d: {  	[sflag:s16] =	ssyncset.done $0x0  }
0x3e: {  	s18 =	sadd.s32 $0x1, s18;
	[sflag:s16] =	ssyncadd.s32 $0xFFFFCE00  }
0x3f: {  	[hbm4b:s6+s2] =	stream.linear.scatter [tilespmem:s13], [sflag:$0x5], $0x3200, $0x38;
	[tilespmem:$0x7D00] =	vst v63  }
0x40: {  	p0 =	sne.s32 s18, s7;
	_ =	swait.ge [sflag:s15], $0x3200  }
.Ltmp1:
0x41: {  	[sflag:s15] =	ssyncset.done $0x0;
	(pc) =	sbr.rel @p0 .LBB2_1-.Ltmp1, $4  }
0x42: {  	[sflag:s15] =	ssyncadd.s32 $0xFFFFCE00  }
0x43: {  	_ =	swait.ge [sflag:s17], $0x3200  }
0x44: {  	[sflag:s17] =	ssyncset.done $0x0  }
0x45: {  	[sflag:s17] =	ssyncadd.s32 $0xFFFFCE00  }
0x46: {  	_ =	sfence.sel $0x180000  }
0x47: {  	[bflag:$0x0] =	sbarrier.arrive $0xFFFF  }
0x48: {  	p0 =	sne.s32 s0, $0x0;
	_ =	strace $0x90000047  }
0x49: {  	s0 =	sadd.s32 @!p0 $0x100000, s1;
	[bflag:$0x2] =	sbarrier.arrive $0xFFFF  }
0x4a: {  	[sflag:s0] =	ssyncadd.tile.s32 @!p0 $0x1;
	_ =	shalt  }
.Lfunc_end2:
_tile_overlayer_lowered:
.L_overlay_start_2:
0x4b: {  	(tag) =	ssettag $0x2  }
0x4c: {  	s0 =	rddreg [dreg:$0x0];
	s2 =	stileid.u32  }
0x4d: {  	s1 =	rddreg [dreg:$0x1];
	p0 =	sne.s32 s2, $0x0  }
0x4e: {  	s3 =	rddreg [dreg:$0x2];
	[bflag:$0x3] =	sbarrier.arrive $0xFFFF;
	s2 =	simm.s32 @!p0 $0x1C06  }
0x4f: {  	[timem:s3], [sflag:s2] =	dma.local @!p0 [hbm:s0], s1  }
0x50: {  	s0 =	simm.s32 @!p0 $0x6  }
0x51: {  	_ =	swait.ge @!p0 [sflag:s0], s1  }
0x52: {  	s1 =	ssub.s32 @!p0 $0x0, s1;
	[sflag:s0] =	ssyncset.done @!p0 $0x0  }
0x53: {  	[sflag:s0] =	ssyncadd.s32 @!p0 s1  }
0x54: {  	[bflag:$0x3] =	sbarrier.arrive $0xFFFF  }
0x55: {  	_ =	shalt  }

// kernel: kernel.8.cloned.1.call-start
scs
__scs_entry_jumppad:
0x0: {  	(pc) =	sbr.rel $0x88, $3  }
0x1: {  	(tag) =	ssettag $0x0;
	lr =	simm.s32 $0x1  }
0x2: {  	[smem:$0x3F97] =	sst lr;
	_ =	strace $0xD0000000  }
0x3: {  	_ = 	snop  }
0x4: {  	_ = 	snop  }
0x5: {  	_ = 	snop  }
0x6: {  	_ = 	snop  }
0x7: {  	_ = 	snop  }
__scs_overlays_trampoline_lowered:
0x8: {  	[smem:$0x3FA6] =	sst s0  }
0x9: {  	[smem:$0x3FA7] =	sst s1  }
0xa: {  	[smem:$0x3FA8] =	sst s2  }
0xb: {  	[smem:$0x3FA9] =	sst s3  }
0xc: {  	[smem:$0x3FAA] =	sst s4  }
0xd: {  	[smem:$0x3FAB] =	sst s5  }
0xe: {  	[smem:$0x3FAC] =	sst s6  }
0xf: {  	[smem:$0x3FAD] =	sst s7  }
0x10: {  	[smem:$0x3FAE] =	sst s8  }
0x11: {  	[smem:$0x3FAF] =	sst s9;
	s0 =	simm.s32 @!p0 $0x0  }
0x12: {  	s1 =	sld [smem:$0x3F95];
	s0 =	simm.s32 @p0 $0x1  }
0x13: {  	[smem:$0x3FB0] =	sst s0;
	s0 =	simm.s32 @!p1 $0x0  }
0x14: {  	s2 =	sld [smem:$0x3F94];
	s0 =	simm.s32 @p1 $0x1  }
0x15: {  	[smem:$0x3FB1] =	sst s0;
	s0 =	simm.s32 @!p2 $0x0  }
0x16: {  	s3 =	sld [smem:$0x3FDB];
	s0 =	simm.s32 @p2 $0x1  }
0x17: {  	s4 =	simm.s32 $0x1BF5;
	[smem:$0x3FB3] =	sst s0  }
0x18: {  	s0 =	sld [smem:$0x3F96];
	_ =	swait.ge [sflag:s4], $0x0  }
0x19: {  	s7 =	sld [smem:$0x3F97]  }
0x1a: {  	s8 =	sadd.s32 $0xFFFFE003, lr  }
0x1b: {  	s9 =	sadd.s32 $0xFFFFFEF7, lr;
	s5 =	simm.s32 $0xFFFFFFFF;
	p2 =	slt.u32 s8, $0xFFFFF086  }
0x1c: {  	p1 =	slt.u32 s9, $0xF7A;
	s5 =	simm.s32 @!p2 $0x0  }
0x1d: {  	s5 =	simm.s32 @p1 $0x1;
	p0 =	seq.s32 s7, s2  }
0x1e: {  	s7 =	smul.u32 @!p0 $0xF7A, s2;
	p2 =	seq.s32 @!p0 s5, $0x0  }
0x1f: {  	s9 =	smul.u32 $0xF7A, s1;
	s8 =	simm.s32 @!p0 $0x1BF5;
	p2 =	por !p2, p0  }
0x20: {  	[sflag:s8] =	ssyncset.s32 @!p0 $0xFFFFF086;
	s6 =	sadd.s32 @!p0 s3, s7;
	s7 =	simm.s32 @!p0 $0x108  }
0x21: {  	s3 =	sadd.s32 s3, s9;
	s6 =	sadd.s32 @!p0 $0x88, s6;
	s7 =	simm.s32 @p2 $0x1082  }
0x22: {  	[simem:s7], [sflag:s8] =	dma.local @!p0 [hbm:s6], $0xF7A  }
0x23: {  	s9 =	sor.u32 $0xD0000000, s2;
	s6 =	simm.s32 $0x108;
	_ =	swait.ge @!p0 [sflag:s8], $0x0  }
0x24: {  	s3 =	sadd.s32 $0x88, s3;
	s6 =	simm.s32 @!p1 $0x1082;
	[sflag:s4] =	ssyncset.s32 $0xFFFFF086  }
0x25: {  	[simem:s6], [sflag:s4] =	dma.local [hbm:s3], $0xF7A  }
0x26: {  	[smem:$0x3F97] =	sst s1;
	(tag) =	ssettag s2;
	_ =	strace s9  }
0x27: {  	s1 =	sld [smem:$0x3FA7]  }
0x28: {  	s2 =	sld [smem:$0x3FA8]  }
0x29: {  	s4 =	sld [smem:$0x3FAA]  }
0x2a: {  	p0 =	seq.s32 s5, $0x0;
	s5 =	sld [smem:$0x3FAB]  }
0x2b: {  	s6 =	sld [smem:$0x3FAC]  }
0x2c: {  	s7 =	sld [smem:$0x3FAD]  }
0x2d: {  	s3 =	simm.s32 $0x108;
	s8 =	sld [smem:$0x3FAE]  }
0x2e: {  	s3 =	simm.s32 @!p0 $0x1082;
	s9 =	sld [smem:$0x3FAF]  }
0x2f: {  	lr =	sadd.s32 s0, s3;
	s0 =	sld [smem:$0x3FA6]  }
0x30: {  	s3 =	sld [smem:$0x3FA9]  }
0x31: {  	[smem:$0x3FB2] =	sst s10  }
0x32: {  	s10 =	sld [smem:$0x3FB0];
	_ =	sdelay $0x3  }
0x33: {  	p0 =	seq.s32 s10, $0x1;
	s10 =	sld [smem:$0x3FB2];
	_ =	sdelay $0x3  }
0x34: {  	[smem:$0x3FB2] =	sst s10  }
0x35: {  	s10 =	sld [smem:$0x3FB1];
	_ =	sdelay $0x3  }
0x36: {  	p1 =	seq.s32 s10, $0x1;
	s10 =	sld [smem:$0x3FB2];
	_ =	sdelay $0x3  }
0x37: {  	[smem:$0x3FB2] =	sst s10  }
0x38: {  	s10 =	sld [smem:$0x3FB3]  }
0x39: {  	_ = 	snop;
	(pc) =	sbr.ind lr, $3  }
0x3a: {  	_ = 	snop  }
0x3b: {  	_ = 	snop  }
0x3c: {  	p2 =	seq.s32 s10, $0x1;
	s10 =	sld [smem:$0x3FB2]  }
0x3d: {  	_ =	shalt  }
0x3e: {  	_ =	shalt  }
0x3f: {  	_ =	shalt  }
0x40: {  	_ =	shalt  }
0x41: {  	_ =	shalt  }
0x42: {  	_ =	shalt  }
0x43: {  	_ =	shalt  }
0x44: {  	_ =	shalt  }
0x45: {  	_ =	shalt  }
0x46: {  	_ =	shalt  }
0x47: {  	_ =	shalt  }
0x48: {  	_ =	shalt  }
0x49: {  	_ =	shalt  }
0x4a: {  	_ =	shalt  }
0x4b: {  	_ =	shalt  }
0x4c: {  	_ =	shalt  }
0x4d: {  	_ =	shalt  }
0x4e: {  	_ =	shalt  }
0x4f: {  	_ =	shalt  }
0x50: {  	_ =	shalt  }
0x51: {  	_ =	shalt  }
0x52: {  	_ =	shalt  }
0x53: {  	_ =	shalt  }
0x54: {  	_ =	shalt  }
0x55: {  	_ =	shalt  }
0x56: {  	_ =	shalt  }
0x57: {  	_ =	shalt  }
0x58: {  	_ =	shalt  }
0x59: {  	_ =	shalt  }
0x5a: {  	_ =	shalt  }
0x5b: {  	_ =	shalt  }
0x5c: {  	_ =	shalt  }
0x5d: {  	_ =	shalt  }
0x5e: {  	_ =	shalt  }
0x5f: {  	_ =	shalt  }
0x60: {  	_ =	shalt  }
0x61: {  	_ =	shalt  }
0x62: {  	_ =	shalt  }
0x63: {  	_ =	shalt  }
0x64: {  	_ =	shalt  }
0x65: {  	_ =	shalt  }
0x66: {  	_ =	shalt  }
0x67: {  	_ =	shalt  }
0x68: {  	_ =	shalt  }
0x69: {  	_ =	shalt  }
0x6a: {  	_ =	shalt  }
0x6b: {  	_ =	shalt  }
0x6c: {  	_ =	shalt  }
0x6d: {  	_ =	shalt  }
0x6e: {  	_ =	shalt  }
0x6f: {  	_ =	shalt  }
0x70: {  	_ =	shalt  }
0x71: {  	_ =	shalt  }
0x72: {  	_ =	shalt  }
0x73: {  	_ =	shalt  }
0x74: {  	_ =	shalt  }
0x75: {  	_ =	shalt  }
0x76: {  	_ =	shalt  }
0x77: {  	_ =	shalt  }
0x78: {  	_ =	shalt  }
0x79: {  	_ =	shalt  }
0x7a: {  	_ =	shalt  }
0x7b: {  	_ =	shalt  }
0x7c: {  	_ =	shalt  }
0x7d: {  	_ =	shalt  }
0x7e: {  	_ =	shalt  }
0x7f: {  	_ =	shalt  }
0x80: {  	_ =	shalt  }
0x81: {  	_ =	shalt  }
0x82: {  	_ =	shalt  }
0x83: {  	_ =	shalt  }
0x84: {  	_ =	shalt  }
0x85: {  	_ =	shalt  }
0x86: {  	_ =	shalt  }
0x87: {  	_ =	shalt  }
.Lfunc_end0:
.L_simem_size_0:
called_computation_lowered:
.L_overlay_start_0:
0x88: {  	s2 =	sld [smem:$0x3FD9]  }
0x89: {  	s3 =	sld [smem:$0x3FFE];
	_ =	sdelay $0x1  }
0x8a: {  	s1 =	srdreg.scid  }
0x8b: {  	s0 =	sand.u32 $0x1, s1  }
0x8c: {  	s17 =	sshll.u32 s0, $0xA;
	s2 =	sadd.s32 s3, s2  }
0x8d: {  	s2 =	sadd.s32 s2, s17  }
0x8e: {  	[smem:$0x3FBE] =	sst s2  }
0x8f: {  	_ = 	snop  }
0x90: {  	s18 =	sld [smem:$0x3FD0];
	(tm) =	ssettm $0x1  }
0x91: {  	s19 =	sld [smem:$0x3FFB];
	_ =	sdelay $0x3  }
0x92: {  	_ =	strace s19  }
0x93: {  	s2 =	sld [smem:$0x3FFC];
	_ =	sdelay $0x3  }
0x94: {  	_ =	strace s2  }
0x95: {  	s2 =	sld [smem:$0x3FFD];
	_ =	sdelay $0x3  }
0x96: {  	_ =	strace s2  }
0x97: {  	_ =	strace $0x8FFFFFFF  }
0x98: {  	s20 =	sld [smem:$0x3FDB];
	_ =	sdelay $0x1  }
0x99: {  	s4 =	simm.s32 $_scs_section_size  }
0x9a: {  	s5 =	simm.s32 $_size__tile_overlayer_lowered;
	s6 =	simm.s32 $_tile_overlayer_lowered  }
0x9b: {  	s7 =	simm.s32 $0x1BFF;
	s21 =	sshll.u32 s6, $0x1;
	s4 =	sadd.s32 s4, s20  }
0x9c: {  	s22 =	simm.s32 $0x0;
	s5 =	sshll.u32 s5, $0x1;
	s6 =	sadd.s32 s21, s4  }
0x9d: {  	[timem:s22], [sflag:s7] =	dma.local [hbm:s6], s5  }
0x9e: {  	_ =	swait.ge [sflag:s7], s5  }
0x9f: {  	s5 =	ssub.s32 $0x0, s5;
	[sflag:s7] =	ssyncset.done $0x0  }
0xa0: {  	[sflag:s7] =	ssyncadd.s32 s5;
	_ =	sdelay $0x1  }
0xa1: {  	s23 =	simm.s32 $0x1B8B  }
0xa2: {  	_ =	swait.ge [sflag:s23], $0x1  }
0xa3: {  	[sflag:s23] =	ssyncset.done $0x0  }
0xa4: {  	[sflag:s23] =	ssyncadd.s32 $0xFFFFFFFF  }
0xa5: {  	s5 =	sld [smem:$0x0]  }
0xa6: {  	s6 =	sand.u32 $0xFFFFFFFE, s1  }
0xa7: {  	p0 =	sne.s32 s1, s6  }
0xa8: {  	s6 =	sshll.u32 @p0 s6, $0xE  }
0xa9: {  	s6 =	sadd.s32 @p0 $0x11B8D, s6;
	s7 =	sshll.u32 @p0 s5, $0x11  }
0xaa: {  	s6 =	sor.u32 @p0 s7, s6  }
0xab: {  	[sflag:s6] =	ssyncadd.remote.s32 @p0 $0x1;
	_ =	sdelay $0x1  }
0xac: {  	s6 =	simm.s32 @p0 $0x1B8D  }
0xad: {  	_ =	swait.eq @p0 [sflag:s6], $0x1  }
0xae: {  	[sflag:s6] =	ssyncadd.s32 @p0 $0xFFFFFFFF  }
0xaf: {  	s7 =	sshll.u32 @!p0 s1, $0xE  }
0xb0: {  	s7 =	sor.u32 @!p0 $0x4000, s7;
	s6 =	simm.s32 @!p0 $0x1B8D  }
0xb1: {  	s5 =	sshll.u32 @!p0 s5, $0x11;
	s7 =	sadd.s32 @!p0 $0x11B8D, s7;
	_ =	swait.eq @!p0 [sflag:s6], $0x1  }
0xb2: {  	s5 =	sor.u32 @!p0 s5, s7;
	[sflag:s6] =	ssyncadd.s32 @!p0 $0xFFFFFFFF  }
0xb3: {  	s25 =	simm.s32 $0x1B8E;
	s24 =	sld [smem:$0x3FFE];
	[sflag:s5] =	ssyncadd.remote.s32 @!p0 $0x1  }
0xb4: {  	s26 =	simm.s32 $execute0_lowered;
	[smem:$0x3FD2] =	sst s25  }
0xb5: {  	s6 =	sshll.u32 s26, $0x1;
	_ =	strace $0x80000049;
	[dreg:$0x1] =	wrdreg $0xFFFFFFFF  }
0xb6: {  	s28 =	simm.s32 $_size_execute0_lowered;
	s4 =	sadd.s32 s4, s6;
	[dreg:$0x0] =	wrdreg $0x0  }
0xb7: {  	s6 =	sshll.u32 s28, $0x1;
	[dreg:$0x2] =	wrdreg s4  }
0xb8: {  	[dreg:$0x3] =	wrdreg s6  }
0xb9: {  	[dreg:$0x4] =	wrdreg $0xC0  }
0xba: {  	_ =	task [dreg:s22], $0x5FFFF  }
0xbb: {  	[dreg:$0x1] =	wrdreg $0xFFFFFFFF  }
0xbc: {  	[dreg:$0x0] =	wrdreg $0x60  }
0xbd: {  	[dreg:$0x2] =	wrdreg s18  }
0xbe: {  	[dreg:$0x3] =	wrdreg s24  }
0xbf: {  	[dreg:$0x4] =	wrdreg $0x9  }
0xc0: {  	_ =	task.clear_ibuf [dreg:s22], $0x5FFFF;
	_ =	strace $0x90000049  }
0xc1: {  	s29 =	simm.s32 $0x9;
	_ =	strace $0x8000004B  }
0xc2: {  	_ =	swait.ge [sflag:s29], $0x1  }
0xc3: {  	[sflag:s29] =	ssyncadd.s32 $0xFFFFFFFF  }
0xc4: {  	_ =	strace $0x9000004B  }
0xc5: {  	_ =	sfence  }
0xc6: {  	s30 =	sld [smem:$0x0];
	_ =	sdelay $0x2  }
0xc7: {  	s31 =	sshll.u32 s1, $0xD;
	s1 =	sshrl.u32 s1, $0x2  }
0xc8: {  	s4 =	sand.u32 $0x4000, s31;
	s1 =	sadd.s32 s1, s30  }
0xc9: {  	s0 =	sor.u32 s4, s0;
	s1 =	sshll.u32 s1, $0x11  }
0xca: {  	s0 =	sor.u32 s1, s0  }
0xcb: {  	s0 =	sadd.s32 $0x8F2B, s0  }
0xcc: {  	[sflag:s0] =	ssyncadd.remote.s32 $0x1  }
0xcd: {  	_ =	sfence.sel $0xFFFF  }
0xce: {  	[dreg:$0x0] =	wrdreg $0xFFFFFFFF;
	(pc) =	sbr.abs _section_cstart, $3  }
0xcf: {  	[dreg:$0x1] =	wrdreg $0xFFFFFFFF  }
0xd0: {  	_ =	task.clear_ibuf [dreg:s22], $0x2FFFF;
	_ =	strace $0x9FFFFFFF  }
0xd1: {  	(tm) =	ssettm $0x7FFFFFFF  }
tec
execute0_lowered:
.L_overlay_start_1:
0x0: {  	(tag) =	ssettag $0x1  }
0x1: {  	s1 =	srdreg.scid  }
0x2: {  	s0 =	stileid.u32;
	s2 =	rddreg [dreg:$0x0]  }
0x3: {  	s6 =	rddreg [dreg:$0x1];
	s3 =	simm.s32 $0x0;
	s17 =	simm.s32 $0x1  }
0x4: {  	s18 =	simm.s32 $0x190;
	s19 =	simm.s32 $0x3200;
	s20 =	simm.s32 $0x6400  }
0x5: {  	s28 =	simm.s32 $0x5;
	s29 =	simm.s32 $0x0;
	s5 =	sand.u32 $0x1, s1  }
0x6: {  	s21 =	sshll.u32 s0, $0x1;
	[smem:$0x7FF] =	sst s3;
	s11 =	smul.u32 $0x3200, s0  }
0x7: {  	s14 =	sadd.s32 $0x4BDE00, s6;
	s7 =	sor.u32 s5, s21;
	s12 =	smul.u32 $0x1900, s5  }
0x8: {  	s15 =	sadd.s32 $0x585E00, s6;
	s10 =	ssub.s32 $0x2, s5;
	s4 =	smul.u32 $0x1900, s7  }
0x9: {  	_ =	strace $0x8000004A;
	s9 =	smul.u32 $0x32000, s7;
	s22 =	sshrl.u32 s10, $0x1  }
0xa: {  	s21 =	simm.s32 $0x9600;
	s23 =	smul.u32 $0x6400, s7;
	s13 =	ssub.s32 s10, s22  }
0xb: {  	s25 =	sadd.s32 s12, s11;
	s22 =	simm.s32 $0x1A90;
	s8 =	sshrl.u32 s4, $0x3  }
0xc: {  	s4 =	sadd.s32 $0x4B0600, s6;
	s24 =	sshrl.u32 s9, $0x3;
	s7 =	sadd.s32 s14, s23  }
0xd: {  	s16 =	sshll.u32 s25, $0x2;
	s11 =	smax.u32 s13, $0x1;
	s25 =	simm.s32 $0x4  }
0xe: {  	s8 =	sadd.s32 s8, s6;
	s26 =	sadd.s32 $0x5DC0, s24;
	s30 =	sadd.s32 $0x20000640, s16  }
0xf: {  	s16 =	sadd.s32 $0xC80, s16;
	s24 =	simm.s32 $0x2;
	s5 =	sadd.s32 $0x4B7A00, s8  }
0x10: {  	s6 =	sadd.s32 $0x4B1600, s8;
	s8 =	sadd.s32 s15, s23;
	s9 =	sadd.s32 s14, s26  }
0x11: {  	s10 =	sadd.s32 s15, s26;
	s31 =	sand.u32 $0x3FFE40, s30;
	s23 =	simm.s32 $0xC800  }
0x12: {  	s26 =	simm.s32 $0x3;
	s12 =	sadd.s32 s31, s14;
	s13 =	sadd.s32 s31, s15  }
0x13: {  	s14 =	sadd.s32 s16, s14;
	s15 =	sadd.s32 s16, s15;
	s16 =	simm.s32 $0x1900  }
.LBB2_1:
0x14: {  	[tilespmem:s3], [sflag:$0x1] =	stream.linear.gather [hbm4b:s5+s3], $0x1900, $0x38;
	[tilespmem:$0xFA00] =	vst v63  }
0x15: {  	_ = 	snop  }
0x16: {  	[tilespmem:s16], [sflag:$0x1] =	stream.linear.gather [hbm4b:s6+s3], $0x1900, $0x38;
	[tilespmem:$0xFA00] =	vst v63  }
0x17: {  	_ =	swait.ge [sflag:s17], $0x1900  }
0x18: {  	[sflag:s17] =	ssyncset.done $0x0  }
0x19: {  	[sflag:s17] =	ssyncadd.s32 $0xFFFFE700  }
0x1a: {  	_ =	swait.ge [sflag:s17], $0x1900  }
0x1b: {  	[sflag:s17] =	ssyncset.done $0x0  }
0x1c: {  	[sflag:s17] =	ssyncadd.s32 $0xFFFFE700  }
0x1d: {  	[tilespmem:s19], [sflag:$0x2] =	stream.indirect.gather [hbm4b:s2+s18], $0x20, s3, s18, $0xb8;
	[tilespmem:$0xFA00] =	vst v63  }
0x1e: {  	_ = 	snop  }
0x1f: {  	[tilespmem:s20], [sflag:$0x2] =	stream.indirect.gather [hbm4b:s4+s18], $0x20, s16, s18, $0xb8;
	[tilespmem:$0xFA00] =	vst v63  }
0x20: {  	_ = 	snop  }
0x21: {  	[tilespmem:s21], [sflag:$0x3] =	stream.indirect.gather [hbm4b:s2+s18], $0x20, s18, s18, $0xb8;
	[tilespmem:$0xFA00] =	vst v63  }
0x22: {  	_ = 	snop  }
0x23: {  	[tilespmem:s23], [sflag:$0x3] =	stream.indirect.gather [hbm4b:s4+s18], $0x20, s22, s18, $0xb8;
	[tilespmem:$0xFA00] =	vst v63  }
0x24: {  	_ =	swait.ge [sflag:s24], $0x3200  }
0x25: {  	[sflag:s24] =	ssyncset.done $0x0  }
0x26: {  	[sflag:s24] =	ssyncadd.s32 $0xFFFFCE00  }
0x27: {  	_ =	swait.ge [sflag:s24], $0x3200  }
0x28: {  	[sflag:s24] =	ssyncset.done $0x0  }
0x29: {  	[sflag:s24] =	ssyncadd.s32 $0xFFFFCE00  }
0x2a: {  	[hbm4b:s7+s3] =	stream.linear.scatter [tilespmem:s19], [sflag:$0x4], $0x3200, $0x38;
	[tilespmem:$0xFA00] =	vst v63  }
0x2b: {  	_ = 	snop  }
0x2c: {  	[hbm4b:s8+s3] =	stream.linear.scatter [tilespmem:s20], [sflag:$0x4], $0x3200, $0x38;
	[tilespmem:$0xFA00] =	vst v63  }
0x2d: {  	_ =	swait.ge [sflag:s25], $0x3200  }
0x2e: {  	[sflag:s25] =	ssyncset.done $0x0  }
0x2f: {  	[sflag:s25] =	ssyncadd.s32 $0xFFFFCE00  }
0x30: {  	_ =	swait.ge [sflag:s25], $0x3200  }
0x31: {  	[sflag:s25] =	ssyncset.done $0x0  }
0x32: {  	s30 =	simm.s32 $0x320;
	[sflag:s25] =	ssyncadd.s32 $0xFFFFCE00  }
0x33: {  	[tilespmem:s19], [sflag:$0x2] =	stream.indirect.gather [hbm4b:s2+s18], $0x20, s30, s18, $0xb8;
	[tilespmem:$0xFA00] =	vst v63  }
0x34: {  	s30 =	simm.s32 $0x1C20  }
0x35: {  	[tilespmem:s20], [sflag:$0x2] =	stream.indirect.gather [hbm4b:s4+s18], $0x20, s30, s18, $0xb8;
	[tilespmem:$0xFA00] =	vst v63  }
0x36: {  	_ =	swait.ge [sflag:s26], $0x3200  }
0x37: {  	[sflag:s26] =	ssyncset.done $0x0  }
0x38: {  	[sflag:s26] =	ssyncadd.s32 $0xFFFFCE00  }
0x39: {  	_ =	swait.ge [sflag:s26], $0x3200  }
0x3a: {  	[sflag:s26] =	ssyncset.done $0x0  }
0x3b: {  	s30 =	sadd.s32 $0x0, s12;
	[sflag:s26] =	ssyncadd.s32 $0xFFFFCE00  }
0x3c: {  	[hbm4b:s30+s3] =	stream.linear.scatter [tilespmem:s21], [sflag:$0x5], $0x3200, $0x38;
	[tilespmem:$0xFA00] =	vst v63  }
0x3d: {  	s30 =	sadd.s32 $0x0, s13  }
0x3e: {  	[hbm4b:s30+s3] =	stream.linear.scatter [tilespmem:s23], [sflag:$0x5], $0x3200, $0x38;
	[tilespmem:$0xFA00] =	vst v63  }
0x3f: {  	_ =	swait.ge [sflag:s28], $0x3200  }
0x40: {  	[sflag:s28] =	ssyncset.done $0x0  }
0x41: {  	[sflag:s28] =	ssyncadd.s32 $0xFFFFCE00  }
0x42: {  	_ =	swait.ge [sflag:s28], $0x3200  }
0x43: {  	[sflag:s28] =	ssyncset.done $0x0  }
0x44: {  	s30 =	simm.s32 $0x4B0;
	[sflag:s28] =	ssyncadd.s32 $0xFFFFCE00  }
0x45: {  	[tilespmem:s21], [sflag:$0x3] =	stream.indirect.gather [hbm4b:s2+s18], $0x20, s30, s18, $0xb8;
	[tilespmem:$0xFA00] =	vst v63  }
0x46: {  	s30 =	simm.s32 $0x1DB0  }
0x47: {  	[tilespmem:s23], [sflag:$0x3] =	stream.indirect.gather [hbm4b:s4+s18], $0x20, s30, s18, $0xb8;
	[tilespmem:$0xFA00] =	vst v63  }
0x48: {  	_ =	swait.ge [sflag:s24], $0x3200  }
0x49: {  	[sflag:s24] =	ssyncset.done $0x0  }
0x4a: {  	[sflag:s24] =	ssyncadd.s32 $0xFFFFCE00  }
0x4b: {  	_ =	swait.ge [sflag:s24], $0x3200  }
0x4c: {  	[sflag:s24] =	ssyncset.done $0x0  }
0x4d: {  	s30 =	sadd.s32 $0x0, s14;
	[sflag:s24] =	ssyncadd.s32 $0xFFFFCE00  }
0x4e: {  	[hbm4b:s30+s3] =	stream.linear.scatter [tilespmem:s19], [sflag:$0x4], $0x3200, $0x38;
	[tilespmem:$0xFA00] =	vst v63  }
0x4f: {  	s31 =	sadd.s32 $0x0, s15;
	s30 =	simm.s32 $0xC80  }
.LBB2_2:
0x50: {  	[hbm4b:s31+s3] =	stream.linear.scatter [tilespmem:s20], [sflag:$0x4], $0x3200, $0x38;
	[tilespmem:$0xFA00] =	vst v63  }
0x51: {  	s31 =	smov.u32 s30  }
0x52: {  	p0 =	sne.s32 s30, $0x4B00;
	s30 =	sadd.s32 $0xC80, s30;
	_ =	swait.ge [sflag:s25], $0x3200  }
0x53: {  	[sflag:s25] =	ssyncset.done $0x0  }
0x54: {  	[sflag:s25] =	ssyncadd.s32 $0xFFFFCE00  }
0x55: {  	_ =	swait.ge [sflag:s25], $0x3200  }
0x56: {  	s1 =	sshra.s32 s31, $0x2;
	[sflag:s25] =	ssyncset.done $0x0  }
0x57: {  	s0 =	sadd.s32 $0x320, s1;
	[sflag:s25] =	ssyncadd.s32 $0xFFFFCE00  }
0x58: {  	[tilespmem:s19], [sflag:$0x2] =	stream.indirect.gather [hbm4b:s2+s18], $0x20, s0, s18, $0xb8;
	[tilespmem:$0xFA00] =	vst v63  }
0x59: {  	s0 =	sadd.s32 $0x1C20, s1  }
0x5a: {  	[tilespmem:s20], [sflag:$0x2] =	stream.indirect.gather [hbm4b:s4+s18], $0x20, s0, s18, $0xb8;
	[tilespmem:$0xFA00] =	vst v63  }
0x5b: {  	_ =	swait.ge [sflag:s26], $0x3200  }
0x5c: {  	[sflag:s26] =	ssyncset.done $0x0  }
0x5d: {  	[sflag:s26] =	ssyncadd.s32 $0xFFFFCE00  }
0x5e: {  	_ =	swait.ge [sflag:s26], $0x3200  }
0x5f: {  	[sflag:s26] =	ssyncset.done $0x0  }
0x60: {  	s0 =	sadd.s32 s31, s12;
	[sflag:s26] =	ssyncadd.s32 $0xFFFFCE00  }
0x61: {  	[hbm4b:s0+s3] =	stream.linear.scatter [tilespmem:s21], [sflag:$0x5], $0x3200, $0x38;
	[tilespmem:$0xFA00] =	vst v63  }
0x62: {  	s0 =	sadd.s32 s31, s13  }
0x63: {  	[hbm4b:s0+s3] =	stream.linear.scatter [tilespmem:s23], [sflag:$0x5], $0x3200, $0x38;
	[tilespmem:$0xFA00] =	vst v63  }
0x64: {  	_ =	swait.ge [sflag:s28], $0x3200  }
0x65: {  	[sflag:s28] =	ssyncset.done $0x0  }
0x66: {  	[sflag:s28] =	ssyncadd.s32 $0xFFFFCE00  }
0x67: {  	_ =	swait.ge [sflag:s28], $0x3200  }
0x68: {  	[sflag:s28] =	ssyncset.done $0x0  }
0x69: {  	s0 =	sadd.s32 $0x4B0, s1;
	[sflag:s28] =	ssyncadd.s32 $0xFFFFCE00  }
0x6a: {  	[tilespmem:s21], [sflag:$0x3] =	stream.indirect.gather [hbm4b:s2+s18], $0x20, s0, s18, $0xb8;
	[tilespmem:$0xFA00] =	vst v63  }
0x6b: {  	s0 =	sadd.s32 $0x1DB0, s1  }
0x6c: {  	[tilespmem:s23], [sflag:$0x3] =	stream.indirect.gather [hbm4b:s4+s18], $0x20, s0, s18, $0xb8;
	[tilespmem:$0xFA00] =	vst v63  }
0x6d: {  	_ =	swait.ge [sflag:s24], $0x3200  }
0x6e: {  	[sflag:s24] =	ssyncset.done $0x0  }
0x6f: {  	[sflag:s24] =	ssyncadd.s32 $0xFFFFCE00  }
.Ltmp0:
0x70: {  	_ =	swait.ge [sflag:s24], $0x3200;
	(pc) =	sbr.rel @p0 .LBB2_2-.Ltmp0, $4  }
0x71: {  	[sflag:s24] =	ssyncset.done $0x0  }
0x72: {  	s0 =	sadd.s32 s31, s14;
	[sflag:s24] =	ssyncadd.s32 $0xFFFFCE00  }
0x73: {  	[hbm4b:s0+s3] =	stream.linear.scatter [tilespmem:s19], [sflag:$0x4], $0x3200, $0x38;
	[tilespmem:$0xFA00] =	vst v63  }
0x74: {  	s31 =	sadd.s32 s31, s15  }
0x75: {  	[hbm4b:s31+s3] =	stream.linear.scatter [tilespmem:s20], [sflag:$0x4], $0x3200, $0x38;
	[tilespmem:$0xFA00] =	vst v63  }
0x76: {  	_ =	swait.ge [sflag:s26], $0x3200  }
0x77: {  	[sflag:s26] =	ssyncset.done $0x0  }
0x78: {  	[sflag:s26] =	ssyncadd.s32 $0xFFFFCE00  }
0x79: {  	_ =	swait.ge [sflag:s26], $0x3200  }
0x7a: {  	[sflag:s26] =	ssyncset.done $0x0  }
0x7b: {  	[sflag:s26] =	ssyncadd.s32 $0xFFFFCE00  }
0x7c: {  	[hbm4b:s9+s3] =	stream.linear.scatter [tilespmem:s21], [sflag:$0x5], $0x3200, $0x38;
	[tilespmem:$0xFA00] =	vst v63  }
0x7d: {  	_ = 	snop  }
0x7e: {  	[hbm4b:s10+s3] =	stream.linear.scatter [tilespmem:s23], [sflag:$0x5], $0x3200, $0x38;
	[tilespmem:$0xFA00] =	vst v63  }
0x7f: {  	_ =	swait.ge [sflag:s25], $0x3200  }
0x80: {  	[sflag:s25] =	ssyncset.done $0x0  }
0x81: {  	[sflag:s25] =	ssyncadd.s32 $0xFFFFCE00  }
0x82: {  	_ =	swait.ge [sflag:s25], $0x3200  }
0x83: {  	[sflag:s25] =	ssyncset.done $0x0  }
0x84: {  	s29 =	sadd.s32 $0x1, s29;
	[sflag:s25] =	ssyncadd.s32 $0xFFFFCE00  }
0x85: {  	p0 =	sne.s32 s29, s11;
	_ =	swait.ge [sflag:s28], $0x3200  }
.Ltmp1:
0x86: {  	[sflag:s28] =	ssyncset.done $0x0;
	(pc) =	sbr.rel @p0 .LBB2_1-.Ltmp1, $4  }
0x87: {  	[sflag:s28] =	ssyncadd.s32 $0xFFFFCE00  }
0x88: {  	_ =	swait.ge [sflag:s28], $0x3200  }
0x89: {  	[sflag:s28] =	ssyncset.done $0x0  }
0x8a: {  	[sflag:s28] =	ssyncadd.s32 $0xFFFFCE00  }
0x8b: {  	_ =	sfence.sel $0x180000  }
0x8c: {  	[bflag:$0x0] =	sbarrier.arrive $0xFFFF  }
0x8d: {  	_ =	strace $0x9000004A  }
0x8e: {  	s0 =	stileid.u32;
	[bflag:$0x2] =	sbarrier.arrive $0xFFFF  }
0x8f: {  	p0 =	sne.s32 s0, $0x0;
	s0 =	rddreg [dreg:$0x2]  }
0x90: {  	s0 =	sadd.s32 @!p0 $0x100000, s0  }
0x91: {  	[sflag:s0] =	ssyncadd.tile.s32 @!p0 $0x1;
	_ =	shalt  }
.Lfunc_end2:
_tile_overlayer_lowered:
.L_overlay_start_2:
0x92: {  	(tag) =	ssettag $0x2  }
0x93: {  	s0 =	rddreg [dreg:$0x0];
	s2 =	stileid.u32  }
0x94: {  	s1 =	rddreg [dreg:$0x1];
	p0 =	sne.s32 s2, $0x0  }
0x95: {  	s3 =	rddreg [dreg:$0x2];
	[bflag:$0x3] =	sbarrier.arrive $0xFFFF;
	s2 =	simm.s32 @!p0 $0x1C06  }
0x96: {  	[timem:s3], [sflag:s2] =	dma.local @!p0 [hbm:s0], s1  }
0x97: {  	s0 =	simm.s32 @!p0 $0x6  }
0x98: {  	_ =	swait.ge @!p0 [sflag:s0], s1  }
0x99: {  	s1 =	ssub.s32 @!p0 $0x0, s1;
	[sflag:s0] =	ssyncset.done @!p0 $0x0  }
0x9a: {  	[sflag:s0] =	ssyncadd.s32 @!p0 s1  }
0x9b: {  	[bflag:$0x3] =	sbarrier.arrive $0xFFFF  }
0x9c: {  	_ =	shalt  }

</sc_bundles>
